<compile_context>
chip_gen: v7x
topology: tpu7x:2x2x1
jax: 0.10.2.dev20260603
libtpu: 0.0.44.dev20260713+nightly
codegen_flags: <defaults>
</compile_context>

<pallas_src>
import functools

import jax
import jax.numpy as jnp
from jax import lax
from jax.experimental import pallas as pl
from jax.experimental.pallas import tpu as pltpu
from jax.experimental.pallas import tpu_sc as plsc

BATCH = 16384
FIELDS = 26
DIM = 64
NUM_IDS = BATCH * FIELDS

NC = 2
NS = 16
NW = NC * NS
BPW = NUM_IDS // NW
CHUNK = 128
NCH = BPW // CHUNK
NBUF = 4
NG = NCH // NBUF

assert BPW * NW == NUM_IDS and NCH * CHUNK == BPW and NG * NBUF == NCH

_mesh = plsc.VectorSubcoreMesh(
    core_axis_name="c", subcore_axis_name="s", num_cores=NC, num_subcores=NS
)


def _emb_body(table_hbm, idx_hbm, out_hbm, idx_v, rows_v, gsem, osem):
    cid = lax.axis_index("c")
    sid = lax.axis_index("s")
    wid = sid * NC + cid
    base = wid * BPW

    pltpu.sync_copy(idx_hbm.at[wid], idx_v)

    def gather_start(j, b):
        pltpu.async_copy(table_hbm.at[idx_v.at[j]], rows_v.at[b], gsem)

    def gather_wait(j, b):
        pltpu.make_async_copy(table_hbm.at[idx_v.at[j]], rows_v.at[b], gsem).wait()

    def out_start(j, b):
        pltpu.async_copy(rows_v.at[b], out_hbm.at[pl.ds(base + j * CHUNK, CHUNK)], osem)

    def out_wait(j, b):
        pltpu.make_async_copy(
            rows_v.at[b], out_hbm.at[pl.ds(base + j * CHUNK, CHUNK)], osem
        ).wait()

    for b in range(NBUF):
        gather_start(b, b)

    def body(g, carry):
        for b in range(NBUF):
            j = g * NBUF + b
            gather_wait(j, b)
            out_start(j, b)
            out_wait(j, b)
            gather_start(j + NBUF, b)
        return carry

    lax.fori_loop(0, NG - 1, body, 0)

    for b in range(NBUF):
        j = (NG - 1) * NBUF + b
        gather_wait(j, b)
        out_start(j, b)
    for b in range(NBUF):
        j = (NG - 1) * NBUF + b
        out_wait(j, b)


_SCRATCH = [
    pltpu.VMEM((NCH, CHUNK), jnp.int32),
    pltpu.VMEM((NBUF, CHUNK, DIM), jnp.float32),
    pltpu.SemaphoreType.DMA,
    pltpu.SemaphoreType.DMA,
]

_emb_lookup = pl.kernel(
    _emb_body,
    out_type=jax.ShapeDtypeStruct((NUM_IDS, DIM), jnp.float32),
    mesh=_mesh,
    scratch_types=_SCRATCH,
    compiler_params=pltpu.CompilerParams(use_tc_tiling_on_sc=False),
)


def kernel(x, kernel):
    idx = jnp.reshape(x.astype(jnp.int32), (NW, NCH, CHUNK))
    out = _emb_lookup(kernel, idx)
    return jnp.reshape(out, (BATCH, FIELDS, DIM))

# --- scband reference (transcript-rebuilt; emitter-appended) ---
"""Pipeline reference for scband-lookup-embedding-6451040878766 (READ-ONLY COPY).

The authoritative reference and input builder live on the scoring server;
editing this copy changes nothing except your own understanding.
"""

import jax, jax.numpy as jnp
import numpy as np

INPUT_DIM = 1000000
OUTPUT_DIM = 64
BATCH = 16384
FIELDS = 26

def setup_inputs(seed: int = 0) -> dict:
    key = jax.random.key(seed)
    k1, k2 = jax.random.split(key)
    x = jax.random.randint(k1, (BATCH, FIELDS), 0, INPUT_DIM, dtype=jnp.int64 if jax.config.jax_enable_x64 else jnp.int32)
    kernel = jax.random.uniform(k2, (INPUT_DIM, OUTPUT_DIM), minval=-1.0, maxval=1.0, dtype=jnp.float32)
    return {"x": x, "kernel": kernel}

def reference(x, kernel):
    # tf.nn.embedding_lookup(params=kernel, ids=x) == kernel[x]
    return jnp.take(kernel, x, axis=0)

if __name__ == "__main__":
    import jax
    _d = setup_inputs()
    print(jax.jit(kernel)(*tuple(_d.values())))

</pallas_src>

<mosaic_0001>
#map = affine_map<(d0, d1) -> (0, 0)>
#map1 = affine_map<(d0, d1) -> (0, 0, 0)>
module attributes {stable_mosaic.version = 14 : i64} {
  func.func @_emb_body(%arg0: i32, %arg1: i32, %arg2: memref<1000000x64xf32, #tpu.memory_space<hbm>>, %arg3: memref<32x104x128xi32, #tpu.memory_space<hbm>>, %arg4: memref<425984x64xf32, #tpu.memory_space<hbm>>, %arg5: memref<104x128xi32, #tpu.memory_space<vmem>>, %arg6: memref<4x128x64xf32, #tpu.memory_space<vmem>>, %arg7: memref<!tpu.dma_semaphore, #tpu.memory_space<semaphore_mem>>, %arg8: memref<!tpu.dma_semaphore, #tpu.memory_space<semaphore_mem>>) attributes {dimension_semantics = [#tpu.dimension_semantics<core_parallel>, #tpu.dimension_semantics<subcore_parallel>], iteration_bounds = array<i64: 2, 16>, scalar_prefetch = 0 : i64, scratch_operands = 4 : i64, tpu.core_type = #tpu.core_type<sc_vector_subcore>, window_params = [{transform_indices = #map}, {transform_indices = #map1}, {transform_indices = #map}]} {
    %mul3A = arith.constant 2 : i32
    %mul3A_0 = arith.muli %arg1, %mul3A : i32
    %add3A = arith.addi %mul3A_0, %arg0 : i32
    %mul3A_1 = arith.constant 13312 : i32
    %mul3A_2 = arith.muli %add3A, %mul3A_1 : i32
    "tpu.region"() ({
      %run_scoped3A = tpu.sem_alloc : memref<!tpu.dma_semaphore, #tpu.memory_space<semaphore_mem>>
      %dma_start3A_222 = arith.constant 0 : i32
      %dma_start3A_223 = arith.constant 0 : i32
      %dma_start3A_224 = tpu.memref_slice %arg3[%add3A, %dma_start3A_222, %dma_start3A_223] : memref<32x104x128xi32, #tpu.memory_space<hbm>> -> memref<1x104x128xi32, #tpu.memory_space<hbm>>
      %dma_start3A_225 = tpu.memref_squeeze %dma_start3A_224 : memref<1x104x128xi32, #tpu.memory_space<hbm>> -> memref<104x128xi32, #tpu.memory_space<hbm>>
      %dma_start3A_226 = arith.constant 0 : i32
      %dma_start3A_227 = arith.constant 0 : i32
      %dma_start3A_228 = tpu.memref_slice %arg3[%add3A, %dma_start3A_226, %dma_start3A_227] : memref<32x104x128xi32, #tpu.memory_space<hbm>> -> memref<1x104x128xi32, #tpu.memory_space<hbm>>
      %dma_start3A_229 = tpu.memref_squeeze %dma_start3A_228 : memref<1x104x128xi32, #tpu.memory_space<hbm>> -> memref<104x128xi32, #tpu.memory_space<hbm>>
      tpu.enqueue_dma source(%dma_start3A_229 : memref<104x128xi32, #tpu.memory_space<hbm>>) target(%arg5 : memref<104x128xi32, #tpu.memory_space<vmem>>) target_semaphore(%run_scoped3A : memref<!tpu.dma_semaphore, #tpu.memory_space<semaphore_mem>>)
      %dma_wait3A_230 = arith.constant 0 : i32
      %dma_wait3A_231 = arith.constant 0 : i32
      %dma_wait3A_232 = tpu.memref_slice %arg3[%add3A, %dma_wait3A_230, %dma_wait3A_231] : memref<32x104x128xi32, #tpu.memory_space<hbm>> -> memref<1x104x128xi32, #tpu.memory_space<hbm>>
      %dma_wait3A_233 = tpu.memref_squeeze %dma_wait3A_232 : memref<1x104x128xi32, #tpu.memory_space<hbm>> -> memref<104x128xi32, #tpu.memory_space<hbm>>
      %dma_wait3A_234 = arith.constant 0 : i32
      %dma_wait3A_235 = arith.constant 0 : i32
      %dma_wait3A_236 = tpu.memref_slice %arg3[%add3A, %dma_wait3A_234, %dma_wait3A_235] : memref<32x104x128xi32, #tpu.memory_space<hbm>> -> memref<1x104x128xi32, #tpu.memory_space<hbm>>
      %dma_wait3A_237 = tpu.memref_squeeze %dma_wait3A_236 : memref<1x104x128xi32, #tpu.memory_space<hbm>> -> memref<104x128xi32, #tpu.memory_space<hbm>>
      tpu.wait_dma2 semaphore(%run_scoped3A : memref<!tpu.dma_semaphore, #tpu.memory_space<semaphore_mem>>) src(%dma_wait3A_237 : memref<104x128xi32, #tpu.memory_space<hbm>>) dst(%arg5 : memref<104x128xi32, #tpu.memory_space<vmem>>)
      tpu.yield
    }) : () -> ()
    %dma_start3A = arith.constant 0 : i32
    %dma_start3A_3 = arith.constant 0 : i32
    %dma_start3A_4 = arith.constant 0 : i32
    %dma_start3A_5 = arith.constant 0 : i32
    %dma_start3A_6 = tpu.memref_slice %arg6[%dma_start3A_3, %dma_start3A_4, %dma_start3A_5] : memref<4x128x64xf32, #tpu.memory_space<vmem>> -> memref<1x128x64xf32, #tpu.memory_space<vmem>>
    %dma_start3A_7 = tpu.memref_squeeze %dma_start3A_6 : memref<1x128x64xf32, #tpu.memory_space<vmem>> -> memref<128x64xf32, #tpu.memory_space<vmem>>
    %dma_start3A_8 = arith.constant 0 : i32
    %dma_start3A_9 = tpu.memref_slice %arg5[%dma_start3A, %dma_start3A_8] : memref<104x128xi32, #tpu.memory_space<vmem>> -> memref<1x128xi32, #tpu.memory_space<vmem>>
    %dma_start3A_10 = tpu.memref_squeeze %dma_start3A_9 : memref<1x128xi32, #tpu.memory_space<vmem>> -> memref<128xi32, #tpu.memory_space<vmem>>
    %dma_start3A_11 = arith.constant 0 : i32
    %dma_start3A_12 = arith.constant 0 : i32
    %dma_start3A_13 = tpu.memref_slice %arg2[%dma_start3A_11, %dma_start3A_12] : memref<1000000x64xf32, #tpu.memory_space<hbm>> -> memref<1000000x64xf32, #tpu.memory_space<hbm>>
    tpu.enqueue_indirect_dma source(%dma_start3A_13 : memref<1000000x64xf32, #tpu.memory_space<hbm>>) target(%dma_start3A_7 : memref<128x64xf32, #tpu.memory_space<vmem>>) offsets(%dma_start3A_10 : memref<128xi32, #tpu.memory_space<vmem>>) semaphore(%arg7 : memref<!tpu.dma_semaphore, #tpu.memory_space<semaphore_mem>>)
    %dma_start3A_14 = arith.constant 1 : i32
    %dma_start3A_15 = arith.constant 1 : i32
    %dma_start3A_16 = arith.constant 0 : i32
    %dma_start3A_17 = arith.constant 0 : i32
    %dma_start3A_18 = tpu.memref_slice %arg6[%dma_start3A_15, %dma_start3A_16, %dma_start3A_17] : memref<4x128x64xf32, #tpu.memory_space<vmem>> -> memref<1x128x64xf32, #tpu.memory_space<vmem>>
    %dma_start3A_19 = tpu.memref_squeeze %dma_start3A_18 : memref<1x128x64xf32, #tpu.memory_space<vmem>> -> memref<128x64xf32, #tpu.memory_space<vmem>>
    %dma_start3A_20 = arith.constant 0 : i32
    %dma_start3A_21 = tpu.memref_slice %arg5[%dma_start3A_14, %dma_start3A_20] : memref<104x128xi32, #tpu.memory_space<vmem>> -> memref<1x128xi32, #tpu.memory_space<vmem>>
    %dma_start3A_22 = tpu.memref_squeeze %dma_start3A_21 : memref<1x128xi32, #tpu.memory_space<vmem>> -> memref<128xi32, #tpu.memory_space<vmem>>
    %dma_start3A_23 = arith.constant 0 : i32
    %dma_start3A_24 = arith.constant 0 : i32
    %dma_start3A_25 = tpu.memref_slice %arg2[%dma_start3A_23, %dma_start3A_24] : memref<1000000x64xf32, #tpu.memory_space<hbm>> -> memref<1000000x64xf32, #tpu.memory_space<hbm>>
    tpu.enqueue_indirect_dma source(%dma_start3A_25 : memref<1000000x64xf32, #tpu.memory_space<hbm>>) target(%dma_start3A_19 : memref<128x64xf32, #tpu.memory_space<vmem>>) offsets(%dma_start3A_22 : memref<128xi32, #tpu.memory_space<vmem>>) semaphore(%arg7 : memref<!tpu.dma_semaphore, #tpu.memory_space<semaphore_mem>>)
    %dma_start3A_26 = arith.constant 2 : i32
    %dma_start3A_27 = arith.constant 2 : i32
    %dma_start3A_28 = arith.constant 0 : i32
    %dma_start3A_29 = arith.constant 0 : i32
    %dma_start3A_30 = tpu.memref_slice %arg6[%dma_start3A_27, %dma_start3A_28, %dma_start3A_29] : memref<4x128x64xf32, #tpu.memory_space<vmem>> -> memref<1x128x64xf32, #tpu.memory_space<vmem>>
    %dma_start3A_31 = tpu.memref_squeeze %dma_start3A_30 : memref<1x128x64xf32, #tpu.memory_space<vmem>> -> memref<128x64xf32, #tpu.memory_space<vmem>>
    %dma_start3A_32 = arith.constant 0 : i32
    %dma_start3A_33 = tpu.memref_slice %arg5[%dma_start3A_26, %dma_start3A_32] : memref<104x128xi32, #tpu.memory_space<vmem>> -> memref<1x128xi32, #tpu.memory_space<vmem>>
    %dma_start3A_34 = tpu.memref_squeeze %dma_start3A_33 : memref<1x128xi32, #tpu.memory_space<vmem>> -> memref<128xi32, #tpu.memory_space<vmem>>
    %dma_start3A_35 = arith.constant 0 : i32
    %dma_start3A_36 = arith.constant 0 : i32
    %dma_start3A_37 = tpu.memref_slice %arg2[%dma_start3A_35, %dma_start3A_36] : memref<1000000x64xf32, #tpu.memory_space<hbm>> -> memref<1000000x64xf32, #tpu.memory_space<hbm>>
    tpu.enqueue_indirect_dma source(%dma_start3A_37 : memref<1000000x64xf32, #tpu.memory_space<hbm>>) target(%dma_start3A_31 : memref<128x64xf32, #tpu.memory_space<vmem>>) offsets(%dma_start3A_34 : memref<128xi32, #tpu.memory_space<vmem>>) semaphore(%arg7 : memref<!tpu.dma_semaphore, #tpu.memory_space<semaphore_mem>>)
    %dma_start3A_38 = arith.constant 3 : i32
    %dma_start3A_39 = arith.constant 3 : i32
    %dma_start3A_40 = arith.constant 0 : i32
    %dma_start3A_41 = arith.constant 0 : i32
    %dma_start3A_42 = tpu.memref_slice %arg6[%dma_start3A_39, %dma_start3A_40, %dma_start3A_41] : memref<4x128x64xf32, #tpu.memory_space<vmem>> -> memref<1x128x64xf32, #tpu.memory_space<vmem>>
    %dma_start3A_43 = tpu.memref_squeeze %dma_start3A_42 : memref<1x128x64xf32, #tpu.memory_space<vmem>> -> memref<128x64xf32, #tpu.memory_space<vmem>>
    %dma_start3A_44 = arith.constant 0 : i32
    %dma_start3A_45 = tpu.memref_slice %arg5[%dma_start3A_38, %dma_start3A_44] : memref<104x128xi32, #tpu.memory_space<vmem>> -> memref<1x128xi32, #tpu.memory_space<vmem>>
    %dma_start3A_46 = tpu.memref_squeeze %dma_start3A_45 : memref<1x128xi32, #tpu.memory_space<vmem>> -> memref<128xi32, #tpu.memory_space<vmem>>
    %dma_start3A_47 = arith.constant 0 : i32
    %dma_start3A_48 = arith.constant 0 : i32
    %dma_start3A_49 = tpu.memref_slice %arg2[%dma_start3A_47, %dma_start3A_48] : memref<1000000x64xf32, #tpu.memory_space<hbm>> -> memref<1000000x64xf32, #tpu.memory_space<hbm>>
    tpu.enqueue_indirect_dma source(%dma_start3A_49 : memref<1000000x64xf32, #tpu.memory_space<hbm>>) target(%dma_start3A_43 : memref<128x64xf32, #tpu.memory_space<vmem>>) offsets(%dma_start3A_46 : memref<128xi32, #tpu.memory_space<vmem>>) semaphore(%arg7 : memref<!tpu.dma_semaphore, #tpu.memory_space<semaphore_mem>>)
    %scan3A = arith.constant 0 : i32
    %scan3A_50 = arith.constant 0 : i32
    %scan3A_51 = arith.constant 25 : i32
    %scan3A_52 = arith.addi %scan3A_50, %scan3A_51 : i32
    %scan3A_53 = arith.constant 1 : i32
    scf.for %scan3A_222 = %scan3A_50 to %scan3A_52 step %scan3A_53  : i32 {
      %mul3A_223 = arith.constant 4 : i32
      %mul3A_224 = arith.muli %scan3A_222, %mul3A_223 : i32
      %add3A_225 = arith.constant 0 : i32
      %add3A_226 = arith.addi %mul3A_224, %add3A_225 : i32
      %dma_wait3A_227 = arith.constant 0 : i32
      %dma_wait3A_228 = arith.constant 0 : i32
      %dma_wait3A_229 = arith.constant 0 : i32
      %dma_wait3A_230 = tpu.memref_slice %arg6[%dma_wait3A_227, %dma_wait3A_228, %dma_wait3A_229] : memref<4x128x64xf32, #tpu.memory_space<vmem>> -> memref<1x128x64xf32, #tpu.memory_space<vmem>>
      %dma_wait3A_231 = tpu.memref_squeeze %dma_wait3A_230 : memref<1x128x64xf32, #tpu.memory_space<vmem>> -> memref<128x64xf32, #tpu.memory_space<vmem>>
      %dma_wait3A_232 = arith.constant 0 : i32
      %dma_wait3A_233 = tpu.memref_slice %arg5[%add3A_226, %dma_wait3A_232] : memref<104x128xi32, #tpu.memory_space<vmem>> -> memref<1x128xi32, #tpu.memory_space<vmem>>
      %dma_wait3A_234 = tpu.memref_squeeze %dma_wait3A_233 : memref<1x128xi32, #tpu.memory_space<vmem>> -> memref<128xi32, #tpu.memory_space<vmem>>
      %dma_wait3A_235 = arith.constant 0 : i32
      %dma_wait3A_236 = arith.constant 0 : i32
      %dma_wait3A_237 = tpu.memref_slice %arg2[%dma_wait3A_235, %dma_wait3A_236] : memref<1000000x64xf32, #tpu.memory_space<hbm>> -> memref<1000000x64xf32, #tpu.memory_space<hbm>>
      tpu.wait_indirect_dma semaphore(%arg7 : memref<!tpu.dma_semaphore, #tpu.memory_space<semaphore_mem>>) src(%dma_wait3A_237 : memref<1000000x64xf32, #tpu.memory_space<hbm>>) dst(%dma_wait3A_231 : memref<128x64xf32, #tpu.memory_space<vmem>>)
      %mul3A_238 = arith.constant 128 : i32
      %mul3A_239 = arith.muli %add3A_226, %mul3A_238 : i32
      %add3A_240 = arith.addi %mul3A_2, %mul3A_239 : i32
      %dma_start3A_241 = arith.constant 0 : i32
      %dma_start3A_242 = arith.constant 0 : i32
      %dma_start3A_243 = arith.constant 0 : i32
      %dma_start3A_244 = tpu.memref_slice %arg6[%dma_start3A_241, %dma_start3A_242, %dma_start3A_243] : memref<4x128x64xf32, #tpu.memory_space<vmem>> -> memref<1x128x64xf32, #tpu.memory_space<vmem>>
      %dma_start3A_245 = tpu.memref_squeeze %dma_start3A_244 : memref<1x128x64xf32, #tpu.memory_space<vmem>> -> memref<128x64xf32, #tpu.memory_space<vmem>>
      %dma_start3A_246 = arith.constant 0 : i32
      %dma_start3A_247 = tpu.memref_slice %arg4[%add3A_240, %dma_start3A_246] : memref<425984x64xf32, #tpu.memory_space<hbm>> -> memref<128x64xf32, #tpu.memory_space<hbm>>
      %dma_start3A_248 = arith.constant 0 : i32
      %dma_start3A_249 = tpu.memref_slice %arg4[%add3A_240, %dma_start3A_248] : memref<425984x64xf32, #tpu.memory_space<hbm>> -> memref<128x64xf32, #tpu.memory_space<hbm>>
      %dma_start3A_250 = arith.constant 0 : i32
      %dma_start3A_251 = arith.constant 0 : i32
      %dma_start3A_252 = tpu.memref_slice %arg6[%dma_start3A_241, %dma_start3A_250, %dma_start3A_251] : memref<4x128x64xf32, #tpu.memory_space<vmem>> -> memref<1x128x64xf32, #tpu.memory_space<vmem>>
      %dma_start3A_253 = tpu.memref_squeeze %dma_start3A_252 : memref<1x128x64xf32, #tpu.memory_space<vmem>> -> memref<128x64xf32, #tpu.memory_space<vmem>>
      tpu.enqueue_dma source(%dma_start3A_253 : memref<128x64xf32, #tpu.memory_space<vmem>>) target(%dma_start3A_249 : memref<128x64xf32, #tpu.memory_space<hbm>>) target_semaphore(%arg8 : memref<!tpu.dma_semaphore, #tpu.memory_space<semaphore_mem>>)
      %mul3A_254 = arith.constant 128 : i32
      %mul3A_255 = arith.muli %add3A_226, %mul3A_254 : i32
      %add3A_256 = arith.addi %mul3A_2, %mul3A_255 : i32
      %dma_wait3A_257 = arith.constant 0 : i32
      %dma_wait3A_258 = arith.constant 0 : i32
      %dma_wait3A_259 = arith.constant 0 : i32
      %dma_wait3A_260 = tpu.memref_slice %arg6[%dma_wait3A_257, %dma_wait3A_258, %dma_wait3A_259] : memref<4x128x64xf32, #tpu.memory_space<vmem>> -> memref<1x128x64xf32, #tpu.memory_space<vmem>>
      %dma_wait3A_261 = tpu.memref_squeeze %dma_wait3A_260 : memref<1x128x64xf32, #tpu.memory_space<vmem>> -> memref<128x64xf32, #tpu.memory_space<vmem>>
      %dma_wait3A_262 = arith.constant 0 : i32
      %dma_wait3A_263 = tpu.memref_slice %arg4[%add3A_256, %dma_wait3A_262] : memref<425984x64xf32, #tpu.memory_space<hbm>> -> memref<128x64xf32, #tpu.memory_space<hbm>>
      %dma_wait3A_264 = arith.constant 0 : i32
      %dma_wait3A_265 = tpu.memref_slice %arg4[%add3A_256, %dma_wait3A_264] : memref<425984x64xf32, #tpu.memory_space<hbm>> -> memref<128x64xf32, #tpu.memory_space<hbm>>
      %dma_wait3A_266 = arith.constant 0 : i32
      %dma_wait3A_267 = arith.constant 0 : i32
      %dma_wait3A_268 = tpu.memref_slice %arg6[%dma_wait3A_257, %dma_wait3A_266, %dma_wait3A_267] : memref<4x128x64xf32, #tpu.memory_space<vmem>> -> memref<1x128x64xf32, #tpu.memory_space<vmem>>
      %dma_wait3A_269 = tpu.memref_squeeze %dma_wait3A_268 : memref<1x128x64xf32, #tpu.memory_space<vmem>> -> memref<128x64xf32, #tpu.memory_space<vmem>>
      tpu.wait_dma2 semaphore(%arg8 : memref<!tpu.dma_semaphore, #tpu.memory_space<semaphore_mem>>) src(%dma_wait3A_269 : memref<128x64xf32, #tpu.memory_space<vmem>>) dst(%dma_wait3A_265 : memref<128x64xf32, #tpu.memory_space<hbm>>)
      %add3A_270 = arith.constant 4 : i32
      %add3A_271 = arith.addi %add3A_226, %add3A_270 : i32
      %dma_start3A_272 = arith.constant 0 : i32
      %dma_start3A_273 = arith.constant 0 : i32
      %dma_start3A_274 = arith.constant 0 : i32
      %dma_start3A_275 = tpu.memref_slice %arg6[%dma_start3A_272, %dma_start3A_273, %dma_start3A_274] : memref<4x128x64xf32, #tpu.memory_space<vmem>> -> memref<1x128x64xf32, #tpu.memory_space<vmem>>
      %dma_start3A_276 = tpu.memref_squeeze %dma_start3A_275 : memref<1x128x64xf32, #tpu.memory_space<vmem>> -> memref<128x64xf32, #tpu.memory_space<vmem>>
      %dma_start3A_277 = arith.constant 0 : i32
      %dma_start3A_278 = tpu.memref_slice %arg5[%add3A_271, %dma_start3A_277] : memref<104x128xi32, #tpu.memory_space<vmem>> -> memref<1x128xi32, #tpu.memory_space<vmem>>
      %dma_start3A_279 = tpu.memref_squeeze %dma_start3A_278 : memref<1x128xi32, #tpu.memory_space<vmem>> -> memref<128xi32, #tpu.memory_space<vmem>>
      %dma_start3A_280 = arith.constant 0 : i32
      %dma_start3A_281 = arith.constant 0 : i32
      %dma_start3A_282 = tpu.memref_slice %arg2[%dma_start3A_280, %dma_start3A_281] : memref<1000000x64xf32, #tpu.memory_space<hbm>> -> memref<1000000x64xf32, #tpu.memory_space<hbm>>
      tpu.enqueue_indirect_dma source(%dma_start3A_282 : memref<1000000x64xf32, #tpu.memory_space<hbm>>) target(%dma_start3A_276 : memref<128x64xf32, #tpu.memory_space<vmem>>) offsets(%dma_start3A_279 : memref<128xi32, #tpu.memory_space<vmem>>) semaphore(%arg7 : memref<!tpu.dma_semaphore, #tpu.memory_space<semaphore_mem>>)
      %mul3A_283 = arith.constant 4 : i32
      %mul3A_284 = arith.muli %scan3A_222, %mul3A_283 : i32
      %add3A_285 = arith.constant 1 : i32
      %add3A_286 = arith.addi %mul3A_284, %add3A_285 : i32
      %dma_wait3A_287 = arith.constant 1 : i32
      %dma_wait3A_288 = arith.constant 0 : i32
      %dma_wait3A_289 = arith.constant 0 : i32
      %dma_wait3A_290 = tpu.memref_slice %arg6[%dma_wait3A_287, %dma_wait3A_288, %dma_wait3A_289] : memref<4x128x64xf32, #tpu.memory_space<vmem>> -> memref<1x128x64xf32, #tpu.memory_space<vmem>>
      %dma_wait3A_291 = tpu.memref_squeeze %dma_wait3A_290 : memref<1x128x64xf32, #tpu.memory_space<vmem>> -> memref<128x64xf32, #tpu.memory_space<vmem>>
      %dma_wait3A_292 = arith.constant 0 : i32
      %dma_wait3A_293 = tpu.memref_slice %arg5[%add3A_286, %dma_wait3A_292] : memref<104x128xi32, #tpu.memory_space<vmem>> -> memref<1x128xi32, #tpu.memory_space<vmem>>
      %dma_wait3A_294 = tpu.memref_squeeze %dma_wait3A_293 : memref<1x128xi32, #tpu.memory_space<vmem>> -> memref<128xi32, #tpu.memory_space<vmem>>
      %dma_wait3A_295 = arith.constant 0 : i32
      %dma_wait3A_296 = arith.constant 0 : i32
      %dma_wait3A_297 = tpu.memref_slice %arg2[%dma_wait3A_295, %dma_wait3A_296] : memref<1000000x64xf32, #tpu.memory_space<hbm>> -> memref<1000000x64xf32, #tpu.memory_space<hbm>>
      tpu.wait_indirect_dma semaphore(%arg7 : memref<!tpu.dma_semaphore, #tpu.memory_space<semaphore_mem>>) src(%dma_wait3A_297 : memref<1000000x64xf32, #tpu.memory_space<hbm>>) dst(%dma_wait3A_291 : memref<128x64xf32, #tpu.memory_space<vmem>>)
      %mul3A_298 = arith.constant 128 : i32
      %mul3A_299 = arith.muli %add3A_286, %mul3A_298 : i32
      %add3A_300 = arith.addi %mul3A_2, %mul3A_299 : i32
      %dma_start3A_301 = arith.constant 1 : i32
      %dma_start3A_302 = arith.constant 0 : i32
      %dma_start3A_303 = arith.constant 0 : i32
      %dma_start3A_304 = tpu.memref_slice %arg6[%dma_start3A_301, %dma_start3A_302, %dma_start3A_303] : memref<4x128x64xf32, #tpu.memory_space<vmem>> -> memref<1x128x64xf32, #tpu.memory_space<vmem>>
      %dma_start3A_305 = tpu.memref_squeeze %dma_start3A_304 : memref<1x128x64xf32, #tpu.memory_space<vmem>> -> memref<128x64xf32, #tpu.memory_space<vmem>>
      %dma_start3A_306 = arith.constant 0 : i32
      %dma_start3A_307 = tpu.memref_slice %arg4[%add3A_300, %dma_start3A_306] : memref<425984x64xf32, #tpu.memory_space<hbm>> -> memref<128x64xf32, #tpu.memory_space<hbm>>
      %dma_start3A_308 = arith.constant 0 : i32
      %dma_start3A_309 = tpu.memref_slice %arg4[%add3A_300, %dma_start3A_308] : memref<425984x64xf32, #tpu.memory_space<hbm>> -> memref<128x64xf32, #tpu.memory_space<hbm>>
      %dma_start3A_310 = arith.constant 0 : i32
      %dma_start3A_311 = arith.constant 0 : i32
      %dma_start3A_312 = tpu.memref_slice %arg6[%dma_start3A_301, %dma_start3A_310, %dma_start3A_311] : memref<4x128x64xf32, #tpu.memory_space<vmem>> -> memref<1x128x64xf32, #tpu.memory_space<vmem>>
      %dma_start3A_313 = tpu.memref_squeeze %dma_start3A_312 : memref<1x128x64xf32, #tpu.memory_space<vmem>> -> memref<128x64xf32, #tpu.memory_space<vmem>>
      tpu.enqueue_dma source(%dma_start3A_313 : memref<128x64xf32, #tpu.memory_space<vmem>>) target(%dma_start3A_309 : memref<128x64xf32, #tpu.memory_space<hbm>>) target_semaphore(%arg8 : memref<!tpu.dma_semaphore, #tpu.memory_space<semaphore_mem>>)
      %mul3A_314 = arith.constant 128 : i32
      %mul3A_315 = arith.muli %add3A_286, %mul3A_314 : i32
      %add3A_316 = arith.addi %mul3A_2, %mul3A_315 : i32
      %dma_wait3A_317 = arith.constant 1 : i32
      %dma_wait3A_318 = arith.constant 0 : i32
      %dma_wait3A_319 = arith.constant 0 : i32
      %dma_wait3A_320 = tpu.memref_slice %arg6[%dma_wait3A_317, %dma_wait3A_318, %dma_wait3A_319] : memref<4x128x64xf32, #tpu.memory_space<vmem>> -> memref<1x128x64xf32, #tpu.memory_space<vmem>>
      %dma_wait3A_321 = tpu.memref_squeeze %dma_wait3A_320 : memref<1x128x64xf32, #tpu.memory_space<vmem>> -> memref<128x64xf32, #tpu.memory_space<vmem>>
      %dma_wait3A_322 = arith.constant 0 : i32
      %dma_wait3A_323 = tpu.memref_slice %arg4[%add3A_316, %dma_wait3A_322] : memref<425984x64xf32, #tpu.memory_space<hbm>> -> memref<128x64xf32, #tpu.memory_space<hbm>>
      %dma_wait3A_324 = arith.constant 0 : i32
      %dma_wait3A_325 = tpu.memref_slice %arg4[%add3A_316, %dma_wait3A_324] : memref<425984x64xf32, #tpu.memory_space<hbm>> -> memref<128x64xf32, #tpu.memory_space<hbm>>
      %dma_wait3A_326 = arith.constant 0 : i32
      %dma_wait3A_327 = arith.constant 0 : i32
      %dma_wait3A_328 = tpu.memref_slice %arg6[%dma_wait3A_317, %dma_wait3A_326, %dma_wait3A_327] : memref<4x128x64xf32, #tpu.memory_space<vmem>> -> memref<1x128x64xf32, #tpu.memory_space<vmem>>
      %dma_wait3A_329 = tpu.memref_squeeze %dma_wait3A_328 : memref<1x128x64xf32, #tpu.memory_space<vmem>> -> memref<128x64xf32, #tpu.memory_space<vmem>>
      tpu.wait_dma2 semaphore(%arg8 : memref<!tpu.dma_semaphore, #tpu.memory_space<semaphore_mem>>) src(%dma_wait3A_329 : memref<128x64xf32, #tpu.memory_space<vmem>>) dst(%dma_wait3A_325 : memref<128x64xf32, #tpu.memory_space<hbm>>)
      %add3A_330 = arith.constant 4 : i32
      %add3A_331 = arith.addi %add3A_286, %add3A_330 : i32
      %dma_start3A_332 = arith.constant 1 : i32
      %dma_start3A_333 = arith.constant 0 : i32
      %dma_start3A_334 = arith.constant 0 : i32
      %dma_start3A_335 = tpu.memref_slice %arg6[%dma_start3A_332, %dma_start3A_333, %dma_start3A_334] : memref<4x128x64xf32, #tpu.memory_space<vmem>> -> memref<1x128x64xf32, #tpu.memory_space<vmem>>
      %dma_start3A_336 = tpu.memref_squeeze %dma_start3A_335 : memref<1x128x64xf32, #tpu.memory_space<vmem>> -> memref<128x64xf32, #tpu.memory_space<vmem>>
      %dma_start3A_337 = arith.constant 0 : i32
      %dma_start3A_338 = tpu.memref_slice %arg5[%add3A_331, %dma_start3A_337] : memref<104x128xi32, #tpu.memory_space<vmem>> -> memref<1x128xi32, #tpu.memory_space<vmem>>
      %dma_start3A_339 = tpu.memref_squeeze %dma_start3A_338 : memref<1x128xi32, #tpu.memory_space<vmem>> -> memref<128xi32, #tpu.memory_space<vmem>>
      %dma_start3A_340 = arith.constant 0 : i32
      %dma_start3A_341 = arith.constant 0 : i32
      %dma_start3A_342 = tpu.memref_slice %arg2[%dma_start3A_340, %dma_start3A_341] : memref<1000000x64xf32, #tpu.memory_space<hbm>> -> memref<1000000x64xf32, #tpu.memory_space<hbm>>
      tpu.enqueue_indirect_dma source(%dma_start3A_342 : memref<1000000x64xf32, #tpu.memory_space<hbm>>) target(%dma_start3A_336 : memref<128x64xf32, #tpu.memory_space<vmem>>) offsets(%dma_start3A_339 : memref<128xi32, #tpu.memory_space<vmem>>) semaphore(%arg7 : memref<!tpu.dma_semaphore, #tpu.memory_space<semaphore_mem>>)
      %mul3A_343 = arith.constant 4 : i32
      %mul3A_344 = arith.muli %scan3A_222, %mul3A_343 : i32
      %add3A_345 = arith.constant 2 : i32
      %add3A_346 = arith.addi %mul3A_344, %add3A_345 : i32
      %dma_wait3A_347 = arith.constant 2 : i32
      %dma_wait3A_348 = arith.constant 0 : i32
      %dma_wait3A_349 = arith.constant 0 : i32
      %dma_wait3A_350 = tpu.memref_slice %arg6[%dma_wait3A_347, %dma_wait3A_348, %dma_wait3A_349] : memref<4x128x64xf32, #tpu.memory_space<vmem>> -> memref<1x128x64xf32, #tpu.memory_space<vmem>>
      %dma_wait3A_351 = tpu.memref_squeeze %dma_wait3A_350 : memref<1x128x64xf32, #tpu.memory_space<vmem>> -> memref<128x64xf32, #tpu.memory_space<vmem>>
      %dma_wait3A_352 = arith.constant 0 : i32
      %dma_wait3A_353 = tpu.memref_slice %arg5[%add3A_346, %dma_wait3A_352] : memref<104x128xi32, #tpu.memory_space<vmem>> -> memref<1x128xi32, #tpu.memory_space<vmem>>
      %dma_wait3A_354 = tpu.memref_squeeze %dma_wait3A_353 : memref<1x128xi32, #tpu.memory_space<vmem>> -> memref<128xi32, #tpu.memory_space<vmem>>
      %dma_wait3A_355 = arith.constant 0 : i32
      %dma_wait3A_356 = arith.constant 0 : i32
      %dma_wait3A_357 = tpu.memref_slice %arg2[%dma_wait3A_355, %dma_wait3A_356] : memref<1000000x64xf32, #tpu.memory_space<hbm>> -> memref<1000000x64xf32, #tpu.memory_space<hbm>>
      tpu.wait_indirect_dma semaphore(%arg7 : memref<!tpu.dma_semaphore, #tpu.memory_space<semaphore_mem>>) src(%dma_wait3A_357 : memref<1000000x64xf32, #tpu.memory_space<hbm>>) dst(%dma_wait3A_351 : memref<128x64xf32, #tpu.memory_space<vmem>>)
      %mul3A_358 = arith.constant 128 : i32
      %mul3A_359 = arith.muli %add3A_346, %mul3A_358 : i32
      %add3A_360 = arith.addi %mul3A_2, %mul3A_359 : i32
      %dma_start3A_361 = arith.constant 2 : i32
      %dma_start3A_362 = arith.constant 0 : i32
      %dma_start3A_363 = arith.constant 0 : i32
      %dma_start3A_364 = tpu.memref_slice %arg6[%dma_start3A_361, %dma_start3A_362, %dma_start3A_363] : memref<4x128x64xf32, #tpu.memory_space<vmem>> -> memref<1x128x64xf32, #tpu.memory_space<vmem>>
      %dma_start3A_365 = tpu.memref_squeeze %dma_start3A_364 : memref<1x128x64xf32, #tpu.memory_space<vmem>> -> memref<128x64xf32, #tpu.memory_space<vmem>>
      %dma_start3A_366 = arith.constant 0 : i32
      %dma_start3A_367 = tpu.memref_slice %arg4[%add3A_360, %dma_start3A_366] : memref<425984x64xf32, #tpu.memory_space<hbm>> -> memref<128x64xf32, #tpu.memory_space<hbm>>
      %dma_start3A_368 = arith.constant 0 : i32
      %dma_start3A_369 = tpu.memref_slice %arg4[%add3A_360, %dma_start3A_368] : memref<425984x64xf32, #tpu.memory_space<hbm>> -> memref<128x64xf32, #tpu.memory_space<hbm>>
      %dma_start3A_370 = arith.constant 0 : i32
      %dma_start3A_371 = arith.constant 0 : i32
      %dma_start3A_372 = tpu.memref_slice %arg6[%dma_start3A_361, %dma_start3A_370, %dma_start3A_371] : memref<4x128x64xf32, #tpu.memory_space<vmem>> -> memref<1x128x64xf32, #tpu.memory_space<vmem>>
      %dma_start3A_373 = tpu.memref_squeeze %dma_start3A_372 : memref<1x128x64xf32, #tpu.memory_space<vmem>> -> memref<128x64xf32, #tpu.memory_space<vmem>>
      tpu.enqueue_dma source(%dma_start3A_373 : memref<128x64xf32, #tpu.memory_space<vmem>>) target(%dma_start3A_369 : memref<128x64xf32, #tpu.memory_space<hbm>>) target_semaphore(%arg8 : memref<!tpu.dma_semaphore, #tpu.memory_space<semaphore_mem>>)
      %mul3A_374 = arith.constant 128 : i32
      %mul3A_375 = arith.muli %add3A_346, %mul3A_374 : i32
      %add3A_376 = arith.addi %mul3A_2, %mul3A_375 : i32
      %dma_wait3A_377 = arith.constant 2 : i32
      %dma_wait3A_378 = arith.constant 0 : i32
      %dma_wait3A_379 = arith.constant 0 : i32
      %dma_wait3A_380 = tpu.memref_slice %arg6[%dma_wait3A_377, %dma_wait3A_378, %dma_wait3A_379] : memref<4x128x64xf32, #tpu.memory_space<vmem>> -> memref<1x128x64xf32, #tpu.memory_space<vmem>>
      %dma_wait3A_381 = tpu.memref_squeeze %dma_wait3A_380 : memref<1x128x64xf32, #tpu.memory_space<vmem>> -> memref<128x64xf32, #tpu.memory_space<vmem>>
      %dma_wait3A_382 = arith.constant 0 : i32
      %dma_wait3A_383 = tpu.memref_slice %arg4[%add3A_376, %dma_wait3A_382] : memref<425984x64xf32, #tpu.memory_space<hbm>> -> memref<128x64xf32, #tpu.memory_space<hbm>>
      %dma_wait3A_384 = arith.constant 0 : i32
      %dma_wait3A_385 = tpu.memref_slice %arg4[%add3A_376, %dma_wait3A_384] : memref<425984x64xf32, #tpu.memory_space<hbm>> -> memref<128x64xf32, #tpu.memory_space<hbm>>
      %dma_wait3A_386 = arith.constant 0 : i32
      %dma_wait3A_387 = arith.constant 0 : i32
      %dma_wait3A_388 = tpu.memref_slice %arg6[%dma_wait3A_377, %dma_wait3A_386, %dma_wait3A_387] : memref<4x128x64xf32, #tpu.memory_space<vmem>> -> memref<1x128x64xf32, #tpu.memory_space<vmem>>
      %dma_wait3A_389 = tpu.memref_squeeze %dma_wait3A_388 : memref<1x128x64xf32, #tpu.memory_space<vmem>> -> memref<128x64xf32, #tpu.memory_space<vmem>>
      tpu.wait_dma2 semaphore(%arg8 : memref<!tpu.dma_semaphore, #tpu.memory_space<semaphore_mem>>) src(%dma_wait3A_389 : memref<128x64xf32, #tpu.memory_space<vmem>>) dst(%dma_wait3A_385 : memref<128x64xf32, #tpu.memory_space<hbm>>)
      %add3A_390 = arith.constant 4 : i32
      %add3A_391 = arith.addi %add3A_346, %add3A_390 : i32
      %dma_start3A_392 = arith.constant 2 : i32
      %dma_start3A_393 = arith.constant 0 : i32
      %dma_start3A_394 = arith.constant 0 : i32
      %dma_start3A_395 = tpu.memref_slice %arg6[%dma_start3A_392, %dma_start3A_393, %dma_start3A_394] : memref<4x128x64xf32, #tpu.memory_space<vmem>> -> memref<1x128x64xf32, #tpu.memory_space<vmem>>
      %dma_start3A_396 = tpu.memref_squeeze %dma_start3A_395 : memref<1x128x64xf32, #tpu.memory_space<vmem>> -> memref<128x64xf32, #tpu.memory_space<vmem>>
      %dma_start3A_397 = arith.constant 0 : i32
      %dma_start3A_398 = tpu.memref_slice %arg5[%add3A_391, %dma_start3A_397] : memref<104x128xi32, #tpu.memory_space<vmem>> -> memref<1x128xi32, #tpu.memory_space<vmem>>
      %dma_start3A_399 = tpu.memref_squeeze %dma_start3A_398 : memref<1x128xi32, #tpu.memory_space<vmem>> -> memref<128xi32, #tpu.memory_space<vmem>>
      %dma_start3A_400 = arith.constant 0 : i32
      %dma_start3A_401 = arith.constant 0 : i32
      %dma_start3A_402 = tpu.memref_slice %arg2[%dma_start3A_400, %dma_start3A_401] : memref<1000000x64xf32, #tpu.memory_space<hbm>> -> memref<1000000x64xf32, #tpu.memory_space<hbm>>
      tpu.enqueue_indirect_dma source(%dma_start3A_402 : memref<1000000x64xf32, #tpu.memory_space<hbm>>) target(%dma_start3A_396 : memref<128x64xf32, #tpu.memory_space<vmem>>) offsets(%dma_start3A_399 : memref<128xi32, #tpu.memory_space<vmem>>) semaphore(%arg7 : memref<!tpu.dma_semaphore, #tpu.memory_space<semaphore_mem>>)
      %mul3A_403 = arith.constant 4 : i32
      %mul3A_404 = arith.muli %scan3A_222, %mul3A_403 : i32
      %add3A_405 = arith.constant 3 : i32
      %add3A_406 = arith.addi %mul3A_404, %add3A_405 : i32
      %dma_wait3A_407 = arith.constant 3 : i32
      %dma_wait3A_408 = arith.constant 0 : i32
      %dma_wait3A_409 = arith.constant 0 : i32
      %dma_wait3A_410 = tpu.memref_slice %arg6[%dma_wait3A_407, %dma_wait3A_408, %dma_wait3A_409] : memref<4x128x64xf32, #tpu.memory_space<vmem>> -> memref<1x128x64xf32, #tpu.memory_space<vmem>>
      %dma_wait3A_411 = tpu.memref_squeeze %dma_wait3A_410 : memref<1x128x64xf32, #tpu.memory_space<vmem>> -> memref<128x64xf32, #tpu.memory_space<vmem>>
      %dma_wait3A_412 = arith.constant 0 : i32
      %dma_wait3A_413 = tpu.memref_slice %arg5[%add3A_406, %dma_wait3A_412] : memref<104x128xi32, #tpu.memory_space<vmem>> -> memref<1x128xi32, #tpu.memory_space<vmem>>
      %dma_wait3A_414 = tpu.memref_squeeze %dma_wait3A_413 : memref<1x128xi32, #tpu.memory_space<vmem>> -> memref<128xi32, #tpu.memory_space<vmem>>
      %dma_wait3A_415 = arith.constant 0 : i32
      %dma_wait3A_416 = arith.constant 0 : i32
      %dma_wait3A_417 = tpu.memref_slice %arg2[%dma_wait3A_415, %dma_wait3A_416] : memref<1000000x64xf32, #tpu.memory_space<hbm>> -> memref<1000000x64xf32, #tpu.memory_space<hbm>>
      tpu.wait_indirect_dma semaphore(%arg7 : memref<!tpu.dma_semaphore, #tpu.memory_space<semaphore_mem>>) src(%dma_wait3A_417 : memref<1000000x64xf32, #tpu.memory_space<hbm>>) dst(%dma_wait3A_411 : memref<128x64xf32, #tpu.memory_space<vmem>>)
      %mul3A_418 = arith.constant 128 : i32
      %mul3A_419 = arith.muli %add3A_406, %mul3A_418 : i32
      %add3A_420 = arith.addi %mul3A_2, %mul3A_419 : i32
      %dma_start3A_421 = arith.constant 3 : i32
      %dma_start3A_422 = arith.constant 0 : i32
      %dma_start3A_423 = arith.constant 0 : i32
      %dma_start3A_424 = tpu.memref_slice %arg6[%dma_start3A_421, %dma_start3A_422, %dma_start3A_423] : memref<4x128x64xf32, #tpu.memory_space<vmem>> -> memref<1x128x64xf32, #tpu.memory_space<vmem>>
      %dma_start3A_425 = tpu.memref_squeeze %dma_start3A_424 : memref<1x128x64xf32, #tpu.memory_space<vmem>> -> memref<128x64xf32, #tpu.memory_space<vmem>>
      %dma_start3A_426 = arith.constant 0 : i32
      %dma_start3A_427 = tpu.memref_slice %arg4[%add3A_420, %dma_start3A_426] : memref<425984x64xf32, #tpu.memory_space<hbm>> -> memref<128x64xf32, #tpu.memory_space<hbm>>
      %dma_start3A_428 = arith.constant 0 : i32
      %dma_start3A_429 = tpu.memref_slice %arg4[%add3A_420, %dma_start3A_428] : memref<425984x64xf32, #tpu.memory_space<hbm>> -> memref<128x64xf32, #tpu.memory_space<hbm>>
      %dma_start3A_430 = arith.constant 0 : i32
      %dma_start3A_431 = arith.constant 0 : i32
      %dma_start3A_432 = tpu.memref_slice %arg6[%dma_start3A_421, %dma_start3A_430, %dma_start3A_431] : memref<4x128x64xf32, #tpu.memory_space<vmem>> -> memref<1x128x64xf32, #tpu.memory_space<vmem>>
      %dma_start3A_433 = tpu.memref_squeeze %dma_start3A_432 : memref<1x128x64xf32, #tpu.memory_space<vmem>> -> memref<128x64xf32, #tpu.memory_space<vmem>>
      tpu.enqueue_dma source(%dma_start3A_433 : memref<128x64xf32, #tpu.memory_space<vmem>>) target(%dma_start3A_429 : memref<128x64xf32, #tpu.memory_space<hbm>>) target_semaphore(%arg8 : memref<!tpu.dma_semaphore, #tpu.memory_space<semaphore_mem>>)
      %mul3A_434 = arith.constant 128 : i32
      %mul3A_435 = arith.muli %add3A_406, %mul3A_434 : i32
      %add3A_436 = arith.addi %mul3A_2, %mul3A_435 : i32
      %dma_wait3A_437 = arith.constant 3 : i32
      %dma_wait3A_438 = arith.constant 0 : i32
      %dma_wait3A_439 = arith.constant 0 : i32
      %dma_wait3A_440 = tpu.memref_slice %arg6[%dma_wait3A_437, %dma_wait3A_438, %dma_wait3A_439] : memref<4x128x64xf32, #tpu.memory_space<vmem>> -> memref<1x128x64xf32, #tpu.memory_space<vmem>>
      %dma_wait3A_441 = tpu.memref_squeeze %dma_wait3A_440 : memref<1x128x64xf32, #tpu.memory_space<vmem>> -> memref<128x64xf32, #tpu.memory_space<vmem>>
      %dma_wait3A_442 = arith.constant 0 : i32
      %dma_wait3A_443 = tpu.memref_slice %arg4[%add3A_436, %dma_wait3A_442] : memref<425984x64xf32, #tpu.memory_space<hbm>> -> memref<128x64xf32, #tpu.memory_space<hbm>>
      %dma_wait3A_444 = arith.constant 0 : i32
      %dma_wait3A_445 = tpu.memref_slice %arg4[%add3A_436, %dma_wait3A_444] : memref<425984x64xf32, #tpu.memory_space<hbm>> -> memref<128x64xf32, #tpu.memory_space<hbm>>
      %dma_wait3A_446 = arith.constant 0 : i32
      %dma_wait3A_447 = arith.constant 0 : i32
      %dma_wait3A_448 = tpu.memref_slice %arg6[%dma_wait3A_437, %dma_wait3A_446, %dma_wait3A_447] : memref<4x128x64xf32, #tpu.memory_space<vmem>> -> memref<1x128x64xf32, #tpu.memory_space<vmem>>
      %dma_wait3A_449 = tpu.memref_squeeze %dma_wait3A_448 : memref<1x128x64xf32, #tpu.memory_space<vmem>> -> memref<128x64xf32, #tpu.memory_space<vmem>>
      tpu.wait_dma2 semaphore(%arg8 : memref<!tpu.dma_semaphore, #tpu.memory_space<semaphore_mem>>) src(%dma_wait3A_449 : memref<128x64xf32, #tpu.memory_space<vmem>>) dst(%dma_wait3A_445 : memref<128x64xf32, #tpu.memory_space<hbm>>)
      %add3A_450 = arith.constant 4 : i32
      %add3A_451 = arith.addi %add3A_406, %add3A_450 : i32
      %dma_start3A_452 = arith.constant 3 : i32
      %dma_start3A_453 = arith.constant 0 : i32
      %dma_start3A_454 = arith.constant 0 : i32
      %dma_start3A_455 = tpu.memref_slice %arg6[%dma_start3A_452, %dma_start3A_453, %dma_start3A_454] : memref<4x128x64xf32, #tpu.memory_space<vmem>> -> memref<1x128x64xf32, #tpu.memory_space<vmem>>
      %dma_start3A_456 = tpu.memref_squeeze %dma_start3A_455 : memref<1x128x64xf32, #tpu.memory_space<vmem>> -> memref<128x64xf32, #tpu.memory_space<vmem>>
      %dma_start3A_457 = arith.constant 0 : i32
      %dma_start3A_458 = tpu.memref_slice %arg5[%add3A_451, %dma_start3A_457] : memref<104x128xi32, #tpu.memory_space<vmem>> -> memref<1x128xi32, #tpu.memory_space<vmem>>
      %dma_start3A_459 = tpu.memref_squeeze %dma_start3A_458 : memref<1x128xi32, #tpu.memory_space<vmem>> -> memref<128xi32, #tpu.memory_space<vmem>>
      %dma_start3A_460 = arith.constant 0 : i32
      %dma_start3A_461 = arith.constant 0 : i32
      %dma_start3A_462 = tpu.memref_slice %arg2[%dma_start3A_460, %dma_start3A_461] : memref<1000000x64xf32, #tpu.memory_space<hbm>> -> memref<1000000x64xf32, #tpu.memory_space<hbm>>
      tpu.enqueue_indirect_dma source(%dma_start3A_462 : memref<1000000x64xf32, #tpu.memory_space<hbm>>) target(%dma_start3A_456 : memref<128x64xf32, #tpu.memory_space<vmem>>) offsets(%dma_start3A_459 : memref<128xi32, #tpu.memory_space<vmem>>) semaphore(%arg7 : memref<!tpu.dma_semaphore, #tpu.memory_space<semaphore_mem>>)
    }
    %scan3A_54 = arith.constant 25 : i32
    %dma_wait3A = arith.constant 100 : i32
    %dma_wait3A_55 = arith.constant 0 : i32
    %dma_wait3A_56 = arith.constant 0 : i32
    %dma_wait3A_57 = arith.constant 0 : i32
    %dma_wait3A_58 = tpu.memref_slice %arg6[%dma_wait3A_55, %dma_wait3A_56, %dma_wait3A_57] : memref<4x128x64xf32, #tpu.memory_space<vmem>> -> memref<1x128x64xf32, #tpu.memory_space<vmem>>
    %dma_wait3A_59 = tpu.memref_squeeze %dma_wait3A_58 : memref<1x128x64xf32, #tpu.memory_space<vmem>> -> memref<128x64xf32, #tpu.memory_space<vmem>>
    %dma_wait3A_60 = arith.constant 0 : i32
    %dma_wait3A_61 = tpu.memref_slice %arg5[%dma_wait3A, %dma_wait3A_60] : memref<104x128xi32, #tpu.memory_space<vmem>> -> memref<1x128xi32, #tpu.memory_space<vmem>>
    %dma_wait3A_62 = tpu.memref_squeeze %dma_wait3A_61 : memref<1x128xi32, #tpu.memory_space<vmem>> -> memref<128xi32, #tpu.memory_space<vmem>>
    %dma_wait3A_63 = arith.constant 0 : i32
    %dma_wait3A_64 = arith.constant 0 : i32
    %dma_wait3A_65 = tpu.memref_slice %arg2[%dma_wait3A_63, %dma_wait3A_64] : memref<1000000x64xf32, #tpu.memory_space<hbm>> -> memref<1000000x64xf32, #tpu.memory_space<hbm>>
    tpu.wait_indirect_dma semaphore(%arg7 : memref<!tpu.dma_semaphore, #tpu.memory_space<semaphore_mem>>) src(%dma_wait3A_65 : memref<1000000x64xf32, #tpu.memory_space<hbm>>) dst(%dma_wait3A_59 : memref<128x64xf32, #tpu.memory_space<vmem>>)
    %add3A_66 = arith.constant 12800 : i32
    %add3A_67 = arith.addi %mul3A_2, %add3A_66 : i32
    %dma_start3A_68 = arith.constant 0 : i32
    %dma_start3A_69 = arith.constant 0 : i32
    %dma_start3A_70 = arith.constant 0 : i32
    %dma_start3A_71 = tpu.memref_slice %arg6[%dma_start3A_68, %dma_start3A_69, %dma_start3A_70] : memref<4x128x64xf32, #tpu.memory_space<vmem>> -> memref<1x128x64xf32, #tpu.memory_space<vmem>>
    %dma_start3A_72 = tpu.memref_squeeze %dma_start3A_71 : memref<1x128x64xf32, #tpu.memory_space<vmem>> -> memref<128x64xf32, #tpu.memory_space<vmem>>
    %dma_start3A_73 = arith.constant 0 : i32
    %dma_start3A_74 = tpu.memref_slice %arg4[%add3A_67, %dma_start3A_73] : memref<425984x64xf32, #tpu.memory_space<hbm>> -> memref<128x64xf32, #tpu.memory_space<hbm>>
    %dma_start3A_75 = arith.constant 0 : i32
    %dma_start3A_76 = tpu.memref_slice %arg4[%add3A_67, %dma_start3A_75] : memref<425984x64xf32, #tpu.memory_space<hbm>> -> memref<128x64xf32, #tpu.memory_space<hbm>>
    %dma_start3A_77 = arith.constant 0 : i32
    %dma_start3A_78 = arith.constant 0 : i32
    %dma_start3A_79 = tpu.memref_slice %arg6[%dma_start3A_68, %dma_start3A_77, %dma_start3A_78] : memref<4x128x64xf32, #tpu.memory_space<vmem>> -> memref<1x128x64xf32, #tpu.memory_space<vmem>>
    %dma_start3A_80 = tpu.memref_squeeze %dma_start3A_79 : memref<1x128x64xf32, #tpu.memory_space<vmem>> -> memref<128x64xf32, #tpu.memory_space<vmem>>
    tpu.enqueue_dma source(%dma_start3A_80 : memref<128x64xf32, #tpu.memory_space<vmem>>) target(%dma_start3A_76 : memref<128x64xf32, #tpu.memory_space<hbm>>) target_semaphore(%arg8 : memref<!tpu.dma_semaphore, #tpu.memory_space<semaphore_mem>>)
    %dma_wait3A_81 = arith.constant 101 : i32
    %dma_wait3A_82 = arith.constant 1 : i32
    %dma_wait3A_83 = arith.constant 0 : i32
    %dma_wait3A_84 = arith.constant 0 : i32
    %dma_wait3A_85 = tpu.memref_slice %arg6[%dma_wait3A_82, %dma_wait3A_83, %dma_wait3A_84] : memref<4x128x64xf32, #tpu.memory_space<vmem>> -> memref<1x128x64xf32, #tpu.memory_space<vmem>>
    %dma_wait3A_86 = tpu.memref_squeeze %dma_wait3A_85 : memref<1x128x64xf32, #tpu.memory_space<vmem>> -> memref<128x64xf32, #tpu.memory_space<vmem>>
    %dma_wait3A_87 = arith.constant 0 : i32
    %dma_wait3A_88 = tpu.memref_slice %arg5[%dma_wait3A_81, %dma_wait3A_87] : memref<104x128xi32, #tpu.memory_space<vmem>> -> memref<1x128xi32, #tpu.memory_space<vmem>>
    %dma_wait3A_89 = tpu.memref_squeeze %dma_wait3A_88 : memref<1x128xi32, #tpu.memory_space<vmem>> -> memref<128xi32, #tpu.memory_space<vmem>>
    %dma_wait3A_90 = arith.constant 0 : i32
    %dma_wait3A_91 = arith.constant 0 : i32
    %dma_wait3A_92 = tpu.memref_slice %arg2[%dma_wait3A_90, %dma_wait3A_91] : memref<1000000x64xf32, #tpu.memory_space<hbm>> -> memref<1000000x64xf32, #tpu.memory_space<hbm>>
    tpu.wait_indirect_dma semaphore(%arg7 : memref<!tpu.dma_semaphore, #tpu.memory_space<semaphore_mem>>) src(%dma_wait3A_92 : memref<1000000x64xf32, #tpu.memory_space<hbm>>) dst(%dma_wait3A_86 : memref<128x64xf32, #tpu.memory_space<vmem>>)
    %add3A_93 = arith.constant 12928 : i32
    %add3A_94 = arith.addi %mul3A_2, %add3A_93 : i32
    %dma_start3A_95 = arith.constant 1 : i32
    %dma_start3A_96 = arith.constant 0 : i32
    %dma_start3A_97 = arith.constant 0 : i32
    %dma_start3A_98 = tpu.memref_slice %arg6[%dma_start3A_95, %dma_start3A_96, %dma_start3A_97] : memref<4x128x64xf32, #tpu.memory_space<vmem>> -> memref<1x128x64xf32, #tpu.memory_space<vmem>>
    %dma_start3A_99 = tpu.memref_squeeze %dma_start3A_98 : memref<1x128x64xf32, #tpu.memory_space<vmem>> -> memref<128x64xf32, #tpu.memory_space<vmem>>
    %dma_start3A_100 = arith.constant 0 : i32
    %dma_start3A_101 = tpu.memref_slice %arg4[%add3A_94, %dma_start3A_100] : memref<425984x64xf32, #tpu.memory_space<hbm>> -> memref<128x64xf32, #tpu.memory_space<hbm>>
    %dma_start3A_102 = arith.constant 0 : i32
    %dma_start3A_103 = tpu.memref_slice %arg4[%add3A_94, %dma_start3A_102] : memref<425984x64xf32, #tpu.memory_space<hbm>> -> memref<128x64xf32, #tpu.memory_space<hbm>>
    %dma_start3A_104 = arith.constant 0 : i32
    %dma_start3A_105 = arith.constant 0 : i32
    %dma_start3A_106 = tpu.memref_slice %arg6[%dma_start3A_95, %dma_start3A_104, %dma_start3A_105] : memref<4x128x64xf32, #tpu.memory_space<vmem>> -> memref<1x128x64xf32, #tpu.memory_space<vmem>>
    %dma_start3A_107 = tpu.memref_squeeze %dma_start3A_106 : memref<1x128x64xf32, #tpu.memory_space<vmem>> -> memref<128x64xf32, #tpu.memory_space<vmem>>
    tpu.enqueue_dma source(%dma_start3A_107 : memref<128x64xf32, #tpu.memory_space<vmem>>) target(%dma_start3A_103 : memref<128x64xf32, #tpu.memory_space<hbm>>) target_semaphore(%arg8 : memref<!tpu.dma_semaphore, #tpu.memory_space<semaphore_mem>>)
    %dma_wait3A_108 = arith.constant 102 : i32
    %dma_wait3A_109 = arith.constant 2 : i32
    %dma_wait3A_110 = arith.constant 0 : i32
    %dma_wait3A_111 = arith.constant 0 : i32
    %dma_wait3A_112 = tpu.memref_slice %arg6[%dma_wait3A_109, %dma_wait3A_110, %dma_wait3A_111] : memref<4x128x64xf32, #tpu.memory_space<vmem>> -> memref<1x128x64xf32, #tpu.memory_space<vmem>>
    %dma_wait3A_113 = tpu.memref_squeeze %dma_wait3A_112 : memref<1x128x64xf32, #tpu.memory_space<vmem>> -> memref<128x64xf32, #tpu.memory_space<vmem>>
    %dma_wait3A_114 = arith.constant 0 : i32
    %dma_wait3A_115 = tpu.memref_slice %arg5[%dma_wait3A_108, %dma_wait3A_114] : memref<104x128xi32, #tpu.memory_space<vmem>> -> memref<1x128xi32, #tpu.memory_space<vmem>>
    %dma_wait3A_116 = tpu.memref_squeeze %dma_wait3A_115 : memref<1x128xi32, #tpu.memory_space<vmem>> -> memref<128xi32, #tpu.memory_space<vmem>>
    %dma_wait3A_117 = arith.constant 0 : i32
    %dma_wait3A_118 = arith.constant 0 : i32
    %dma_wait3A_119 = tpu.memref_slice %arg2[%dma_wait3A_117, %dma_wait3A_118] : memref<1000000x64xf32, #tpu.memory_space<hbm>> -> memref<1000000x64xf32, #tpu.memory_space<hbm>>
    tpu.wait_indirect_dma semaphore(%arg7 : memref<!tpu.dma_semaphore, #tpu.memory_space<semaphore_mem>>) src(%dma_wait3A_119 : memref<1000000x64xf32, #tpu.memory_space<hbm>>) dst(%dma_wait3A_113 : memref<128x64xf32, #tpu.memory_space<vmem>>)
    %add3A_120 = arith.constant 13056 : i32
    %add3A_121 = arith.addi %mul3A_2, %add3A_120 : i32
    %dma_start3A_122 = arith.constant 2 : i32
    %dma_start3A_123 = arith.constant 0 : i32
    %dma_start3A_124 = arith.constant 0 : i32
    %dma_start3A_125 = tpu.memref_slice %arg6[%dma_start3A_122, %dma_start3A_123, %dma_start3A_124] : memref<4x128x64xf32, #tpu.memory_space<vmem>> -> memref<1x128x64xf32, #tpu.memory_space<vmem>>
    %dma_start3A_126 = tpu.memref_squeeze %dma_start3A_125 : memref<1x128x64xf32, #tpu.memory_space<vmem>> -> memref<128x64xf32, #tpu.memory_space<vmem>>
    %dma_start3A_127 = arith.constant 0 : i32
    %dma_start3A_128 = tpu.memref_slice %arg4[%add3A_121, %dma_start3A_127] : memref<425984x64xf32, #tpu.memory_space<hbm>> -> memref<128x64xf32, #tpu.memory_space<hbm>>
    %dma_start3A_129 = arith.constant 0 : i32
    %dma_start3A_130 = tpu.memref_slice %arg4[%add3A_121, %dma_start3A_129] : memref<425984x64xf32, #tpu.memory_space<hbm>> -> memref<128x64xf32, #tpu.memory_space<hbm>>
    %dma_start3A_131 = arith.constant 0 : i32
    %dma_start3A_132 = arith.constant 0 : i32
    %dma_start3A_133 = tpu.memref_slice %arg6[%dma_start3A_122, %dma_start3A_131, %dma_start3A_132] : memref<4x128x64xf32, #tpu.memory_space<vmem>> -> memref<1x128x64xf32, #tpu.memory_space<vmem>>
    %dma_start3A_134 = tpu.memref_squeeze %dma_start3A_133 : memref<1x128x64xf32, #tpu.memory_space<vmem>> -> memref<128x64xf32, #tpu.memory_space<vmem>>
    tpu.enqueue_dma source(%dma_start3A_134 : memref<128x64xf32, #tpu.memory_space<vmem>>) target(%dma_start3A_130 : memref<128x64xf32, #tpu.memory_space<hbm>>) target_semaphore(%arg8 : memref<!tpu.dma_semaphore, #tpu.memory_space<semaphore_mem>>)
    %dma_wait3A_135 = arith.constant 103 : i32
    %dma_wait3A_136 = arith.constant 3 : i32
    %dma_wait3A_137 = arith.constant 0 : i32
    %dma_wait3A_138 = arith.constant 0 : i32
    %dma_wait3A_139 = tpu.memref_slice %arg6[%dma_wait3A_136, %dma_wait3A_137, %dma_wait3A_138] : memref<4x128x64xf32, #tpu.memory_space<vmem>> -> memref<1x128x64xf32, #tpu.memory_space<vmem>>
    %dma_wait3A_140 = tpu.memref_squeeze %dma_wait3A_139 : memref<1x128x64xf32, #tpu.memory_space<vmem>> -> memref<128x64xf32, #tpu.memory_space<vmem>>
    %dma_wait3A_141 = arith.constant 0 : i32
    %dma_wait3A_142 = tpu.memref_slice %arg5[%dma_wait3A_135, %dma_wait3A_141] : memref<104x128xi32, #tpu.memory_space<vmem>> -> memref<1x128xi32, #tpu.memory_space<vmem>>
    %dma_wait3A_143 = tpu.memref_squeeze %dma_wait3A_142 : memref<1x128xi32, #tpu.memory_space<vmem>> -> memref<128xi32, #tpu.memory_space<vmem>>
    %dma_wait3A_144 = arith.constant 0 : i32
    %dma_wait3A_145 = arith.constant 0 : i32
    %dma_wait3A_146 = tpu.memref_slice %arg2[%dma_wait3A_144, %dma_wait3A_145] : memref<1000000x64xf32, #tpu.memory_space<hbm>> -> memref<1000000x64xf32, #tpu.memory_space<hbm>>
    tpu.wait_indirect_dma semaphore(%arg7 : memref<!tpu.dma_semaphore, #tpu.memory_space<semaphore_mem>>) src(%dma_wait3A_146 : memref<1000000x64xf32, #tpu.memory_space<hbm>>) dst(%dma_wait3A_140 : memref<128x64xf32, #tpu.memory_space<vmem>>)
    %add3A_147 = arith.constant 13184 : i32
    %add3A_148 = arith.addi %mul3A_2, %add3A_147 : i32
    %dma_start3A_149 = arith.constant 3 : i32
    %dma_start3A_150 = arith.constant 0 : i32
    %dma_start3A_151 = arith.constant 0 : i32
    %dma_start3A_152 = tpu.memref_slice %arg6[%dma_start3A_149, %dma_start3A_150, %dma_start3A_151] : memref<4x128x64xf32, #tpu.memory_space<vmem>> -> memref<1x128x64xf32, #tpu.memory_space<vmem>>
    %dma_start3A_153 = tpu.memref_squeeze %dma_start3A_152 : memref<1x128x64xf32, #tpu.memory_space<vmem>> -> memref<128x64xf32, #tpu.memory_space<vmem>>
    %dma_start3A_154 = arith.constant 0 : i32
    %dma_start3A_155 = tpu.memref_slice %arg4[%add3A_148, %dma_start3A_154] : memref<425984x64xf32, #tpu.memory_space<hbm>> -> memref<128x64xf32, #tpu.memory_space<hbm>>
    %dma_start3A_156 = arith.constant 0 : i32
    %dma_start3A_157 = tpu.memref_slice %arg4[%add3A_148, %dma_start3A_156] : memref<425984x64xf32, #tpu.memory_space<hbm>> -> memref<128x64xf32, #tpu.memory_space<hbm>>
    %dma_start3A_158 = arith.constant 0 : i32
    %dma_start3A_159 = arith.constant 0 : i32
    %dma_start3A_160 = tpu.memref_slice %arg6[%dma_start3A_149, %dma_start3A_158, %dma_start3A_159] : memref<4x128x64xf32, #tpu.memory_space<vmem>> -> memref<1x128x64xf32, #tpu.memory_space<vmem>>
    %dma_start3A_161 = tpu.memref_squeeze %dma_start3A_160 : memref<1x128x64xf32, #tpu.memory_space<vmem>> -> memref<128x64xf32, #tpu.memory_space<vmem>>
    tpu.enqueue_dma source(%dma_start3A_161 : memref<128x64xf32, #tpu.memory_space<vmem>>) target(%dma_start3A_157 : memref<128x64xf32, #tpu.memory_space<hbm>>) target_semaphore(%arg8 : memref<!tpu.dma_semaphore, #tpu.memory_space<semaphore_mem>>)
    %add3A_162 = arith.constant 12800 : i32
    %add3A_163 = arith.addi %mul3A_2, %add3A_162 : i32
    %dma_wait3A_164 = arith.constant 0 : i32
    %dma_wait3A_165 = arith.constant 0 : i32
    %dma_wait3A_166 = arith.constant 0 : i32
    %dma_wait3A_167 = tpu.memref_slice %arg6[%dma_wait3A_164, %dma_wait3A_165, %dma_wait3A_166] : memref<4x128x64xf32, #tpu.memory_space<vmem>> -> memref<1x128x64xf32, #tpu.memory_space<vmem>>
    %dma_wait3A_168 = tpu.memref_squeeze %dma_wait3A_167 : memref<1x128x64xf32, #tpu.memory_space<vmem>> -> memref<128x64xf32, #tpu.memory_space<vmem>>
    %dma_wait3A_169 = arith.constant 0 : i32
    %dma_wait3A_170 = tpu.memref_slice %arg4[%add3A_163, %dma_wait3A_169] : memref<425984x64xf32, #tpu.memory_space<hbm>> -> memref<128x64xf32, #tpu.memory_space<hbm>>
    %dma_wait3A_171 = arith.constant 0 : i32
    %dma_wait3A_172 = tpu.memref_slice %arg4[%add3A_163, %dma_wait3A_171] : memref<425984x64xf32, #tpu.memory_space<hbm>> -> memref<128x64xf32, #tpu.memory_space<hbm>>
    %dma_wait3A_173 = arith.constant 0 : i32
    %dma_wait3A_174 = arith.constant 0 : i32
    %dma_wait3A_175 = tpu.memref_slice %arg6[%dma_wait3A_164, %dma_wait3A_173, %dma_wait3A_174] : memref<4x128x64xf32, #tpu.memory_space<vmem>> -> memref<1x128x64xf32, #tpu.memory_space<vmem>>
    %dma_wait3A_176 = tpu.memref_squeeze %dma_wait3A_175 : memref<1x128x64xf32, #tpu.memory_space<vmem>> -> memref<128x64xf32, #tpu.memory_space<vmem>>
    tpu.wait_dma2 semaphore(%arg8 : memref<!tpu.dma_semaphore, #tpu.memory_space<semaphore_mem>>) src(%dma_wait3A_176 : memref<128x64xf32, #tpu.memory_space<vmem>>) dst(%dma_wait3A_172 : memref<128x64xf32, #tpu.memory_space<hbm>>)
    %add3A_177 = arith.constant 12928 : i32
    %add3A_178 = arith.addi %mul3A_2, %add3A_177 : i32
    %dma_wait3A_179 = arith.constant 1 : i32
    %dma_wait3A_180 = arith.constant 0 : i32
    %dma_wait3A_181 = arith.constant 0 : i32
    %dma_wait3A_182 = tpu.memref_slice %arg6[%dma_wait3A_179, %dma_wait3A_180, %dma_wait3A_181] : memref<4x128x64xf32, #tpu.memory_space<vmem>> -> memref<1x128x64xf32, #tpu.memory_space<vmem>>
    %dma_wait3A_183 = tpu.memref_squeeze %dma_wait3A_182 : memref<1x128x64xf32, #tpu.memory_space<vmem>> -> memref<128x64xf32, #tpu.memory_space<vmem>>
    %dma_wait3A_184 = arith.constant 0 : i32
    %dma_wait3A_185 = tpu.memref_slice %arg4[%add3A_178, %dma_wait3A_184] : memref<425984x64xf32, #tpu.memory_space<hbm>> -> memref<128x64xf32, #tpu.memory_space<hbm>>
    %dma_wait3A_186 = arith.constant 0 : i32
    %dma_wait3A_187 = tpu.memref_slice %arg4[%add3A_178, %dma_wait3A_186] : memref<425984x64xf32, #tpu.memory_space<hbm>> -> memref<128x64xf32, #tpu.memory_space<hbm>>
    %dma_wait3A_188 = arith.constant 0 : i32
    %dma_wait3A_189 = arith.constant 0 : i32
    %dma_wait3A_190 = tpu.memref_slice %arg6[%dma_wait3A_179, %dma_wait3A_188, %dma_wait3A_189] : memref<4x128x64xf32, #tpu.memory_space<vmem>> -> memref<1x128x64xf32, #tpu.memory_space<vmem>>
    %dma_wait3A_191 = tpu.memref_squeeze %dma_wait3A_190 : memref<1x128x64xf32, #tpu.memory_space<vmem>> -> memref<128x64xf32, #tpu.memory_space<vmem>>
    tpu.wait_dma2 semaphore(%arg8 : memref<!tpu.dma_semaphore, #tpu.memory_space<semaphore_mem>>) src(%dma_wait3A_191 : memref<128x64xf32, #tpu.memory_space<vmem>>) dst(%dma_wait3A_187 : memref<128x64xf32, #tpu.memory_space<hbm>>)
    %add3A_192 = arith.constant 13056 : i32
    %add3A_193 = arith.addi %mul3A_2, %add3A_192 : i32
    %dma_wait3A_194 = arith.constant 2 : i32
    %dma_wait3A_195 = arith.constant 0 : i32
    %dma_wait3A_196 = arith.constant 0 : i32
    %dma_wait3A_197 = tpu.memref_slice %arg6[%dma_wait3A_194, %dma_wait3A_195, %dma_wait3A_196] : memref<4x128x64xf32, #tpu.memory_space<vmem>> -> memref<1x128x64xf32, #tpu.memory_space<vmem>>
    %dma_wait3A_198 = tpu.memref_squeeze %dma_wait3A_197 : memref<1x128x64xf32, #tpu.memory_space<vmem>> -> memref<128x64xf32, #tpu.memory_space<vmem>>
    %dma_wait3A_199 = arith.constant 0 : i32
    %dma_wait3A_200 = tpu.memref_slice %arg4[%add3A_193, %dma_wait3A_199] : memref<425984x64xf32, #tpu.memory_space<hbm>> -> memref<128x64xf32, #tpu.memory_space<hbm>>
    %dma_wait3A_201 = arith.constant 0 : i32
    %dma_wait3A_202 = tpu.memref_slice %arg4[%add3A_193, %dma_wait3A_201] : memref<425984x64xf32, #tpu.memory_space<hbm>> -> memref<128x64xf32, #tpu.memory_space<hbm>>
    %dma_wait3A_203 = arith.constant 0 : i32
    %dma_wait3A_204 = arith.constant 0 : i32
    %dma_wait3A_205 = tpu.memref_slice %arg6[%dma_wait3A_194, %dma_wait3A_203, %dma_wait3A_204] : memref<4x128x64xf32, #tpu.memory_space<vmem>> -> memref<1x128x64xf32, #tpu.memory_space<vmem>>
    %dma_wait3A_206 = tpu.memref_squeeze %dma_wait3A_205 : memref<1x128x64xf32, #tpu.memory_space<vmem>> -> memref<128x64xf32, #tpu.memory_space<vmem>>
    tpu.wait_dma2 semaphore(%arg8 : memref<!tpu.dma_semaphore, #tpu.memory_space<semaphore_mem>>) src(%dma_wait3A_206 : memref<128x64xf32, #tpu.memory_space<vmem>>) dst(%dma_wait3A_202 : memref<128x64xf32, #tpu.memory_space<hbm>>)
    %add3A_207 = arith.constant 13184 : i32
    %add3A_208 = arith.addi %mul3A_2, %add3A_207 : i32
    %dma_wait3A_209 = arith.constant 3 : i32
    %dma_wait3A_210 = arith.constant 0 : i32
    %dma_wait3A_211 = arith.constant 0 : i32
    %dma_wait3A_212 = tpu.memref_slice %arg6[%dma_wait3A_209, %dma_wait3A_210, %dma_wait3A_211] : memref<4x128x64xf32, #tpu.memory_space<vmem>> -> memref<1x128x64xf32, #tpu.memory_space<vmem>>
    %dma_wait3A_213 = tpu.memref_squeeze %dma_wait3A_212 : memref<1x128x64xf32, #tpu.memory_space<vmem>> -> memref<128x64xf32, #tpu.memory_space<vmem>>
    %dma_wait3A_214 = arith.constant 0 : i32
    %dma_wait3A_215 = tpu.memref_slice %arg4[%add3A_208, %dma_wait3A_214] : memref<425984x64xf32, #tpu.memory_space<hbm>> -> memref<128x64xf32, #tpu.memory_space<hbm>>
    %dma_wait3A_216 = arith.constant 0 : i32
    %dma_wait3A_217 = tpu.memref_slice %arg4[%add3A_208, %dma_wait3A_216] : memref<425984x64xf32, #tpu.memory_space<hbm>> -> memref<128x64xf32, #tpu.memory_space<hbm>>
    %dma_wait3A_218 = arith.constant 0 : i32
    %dma_wait3A_219 = arith.constant 0 : i32
    %dma_wait3A_220 = tpu.memref_slice %arg6[%dma_wait3A_209, %dma_wait3A_218, %dma_wait3A_219] : memref<4x128x64xf32, #tpu.memory_space<vmem>> -> memref<1x128x64xf32, #tpu.memory_space<vmem>>
    %dma_wait3A_221 = tpu.memref_squeeze %dma_wait3A_220 : memref<1x128x64xf32, #tpu.memory_space<vmem>> -> memref<128x64xf32, #tpu.memory_space<vmem>>
    tpu.wait_dma2 semaphore(%arg8 : memref<!tpu.dma_semaphore, #tpu.memory_space<semaphore_mem>>) src(%dma_wait3A_221 : memref<128x64xf32, #tpu.memory_space<vmem>>) dst(%dma_wait3A_217 : memref<128x64xf32, #tpu.memory_space<hbm>>)
    return
  }
}

</mosaic_0001>

<sc_bundles>
// kernel: kernel.4.cloned.1.call-start
scs
__scs_entry_jumppad:
0x0: {  	(pc) =	sbr.rel $0x88, $3  }
0x1: {  	(tag) =	ssettag $0x0;
	lr =	simm.s32 $0x1  }
0x2: {  	[smem:$0x3F9F] =	sst lr;
	_ =	strace $0xD0000000  }
0x3: {  	_ = 	snop  }
0x4: {  	_ = 	snop  }
0x5: {  	_ = 	snop  }
0x6: {  	_ = 	snop  }
0x7: {  	_ = 	snop  }
__scs_overlays_trampoline_lowered:
0x8: {  	[smem:$0x3FAE] =	sst s0  }
0x9: {  	[smem:$0x3FAF] =	sst s1  }
0xa: {  	[smem:$0x3FB0] =	sst s2  }
0xb: {  	[smem:$0x3FB1] =	sst s3  }
0xc: {  	[smem:$0x3FB2] =	sst s4  }
0xd: {  	[smem:$0x3FB3] =	sst s5  }
0xe: {  	[smem:$0x3FB4] =	sst s6  }
0xf: {  	[smem:$0x3FB5] =	sst s7  }
0x10: {  	[smem:$0x3FB6] =	sst s8  }
0x11: {  	[smem:$0x3FB7] =	sst s9;
	s0 =	simm.s32 @!p0 $0x0  }
0x12: {  	s1 =	sld [smem:$0x3F9D];
	s0 =	simm.s32 @p0 $0x1  }
0x13: {  	[smem:$0x3FB8] =	sst s0;
	s0 =	simm.s32 @!p1 $0x0  }
0x14: {  	s2 =	sld [smem:$0x3F9C];
	s0 =	simm.s32 @p1 $0x1  }
0x15: {  	[smem:$0x3FB9] =	sst s0;
	s0 =	simm.s32 @!p2 $0x0  }
0x16: {  	s3 =	sld [smem:$0x3FDB];
	s0 =	simm.s32 @p2 $0x1  }
0x17: {  	s4 =	simm.s32 $0x1BF5;
	[smem:$0x3FBB] =	sst s0  }
0x18: {  	s0 =	sld [smem:$0x3F9E];
	_ =	swait.ge [sflag:s4], $0x0  }
0x19: {  	s7 =	sld [smem:$0x3F9F]  }
0x1a: {  	s8 =	sadd.s32 $0xFFFFE003, lr  }
0x1b: {  	s9 =	sadd.s32 $0xFFFFFEF7, lr;
	s5 =	simm.s32 $0xFFFFFFFF;
	p2 =	slt.u32 s8, $0xFFFFF086  }
0x1c: {  	p1 =	slt.u32 s9, $0xF7A;
	s5 =	simm.s32 @!p2 $0x0  }
0x1d: {  	s5 =	simm.s32 @p1 $0x1;
	p0 =	seq.s32 s7, s2  }
0x1e: {  	s7 =	smul.u32 @!p0 $0xF7A, s2;
	p2 =	seq.s32 @!p0 s5, $0x0  }
0x1f: {  	s9 =	smul.u32 $0xF7A, s1;
	s8 =	simm.s32 @!p0 $0x1BF5;
	p2 =	por !p2, p0  }
0x20: {  	[sflag:s8] =	ssyncset.s32 @!p0 $0xFFFFF086;
	s6 =	sadd.s32 @!p0 s3, s7;
	s7 =	simm.s32 @!p0 $0x108  }
0x21: {  	s3 =	sadd.s32 s3, s9;
	s6 =	sadd.s32 @!p0 $0x88, s6;
	s7 =	simm.s32 @p2 $0x1082  }
0x22: {  	[simem:s7], [sflag:s8] =	dma.local @!p0 [hbm:s6], $0xF7A  }
0x23: {  	s9 =	sor.u32 $0xD0000000, s2;
	s6 =	simm.s32 $0x108;
	_ =	swait.ge @!p0 [sflag:s8], $0x0  }
0x24: {  	s3 =	sadd.s32 $0x88, s3;
	s6 =	simm.s32 @!p1 $0x1082;
	[sflag:s4] =	ssyncset.s32 $0xFFFFF086  }
0x25: {  	[simem:s6], [sflag:s4] =	dma.local [hbm:s3], $0xF7A  }
0x26: {  	[smem:$0x3F9F] =	sst s1;
	(tag) =	ssettag s2;
	_ =	strace s9  }
0x27: {  	s1 =	sld [smem:$0x3FAF]  }
0x28: {  	s2 =	sld [smem:$0x3FB0]  }
0x29: {  	s4 =	sld [smem:$0x3FB2]  }
0x2a: {  	p0 =	seq.s32 s5, $0x0;
	s5 =	sld [smem:$0x3FB3]  }
0x2b: {  	s6 =	sld [smem:$0x3FB4]  }
0x2c: {  	s7 =	sld [smem:$0x3FB5]  }
0x2d: {  	s3 =	simm.s32 $0x108;
	s8 =	sld [smem:$0x3FB6]  }
0x2e: {  	s3 =	simm.s32 @!p0 $0x1082;
	s9 =	sld [smem:$0x3FB7]  }
0x2f: {  	lr =	sadd.s32 s0, s3;
	s0 =	sld [smem:$0x3FAE]  }
0x30: {  	s3 =	sld [smem:$0x3FB1]  }
0x31: {  	[smem:$0x3FBA] =	sst s10  }
0x32: {  	s10 =	sld [smem:$0x3FB8];
	_ =	sdelay $0x3  }
0x33: {  	p0 =	seq.s32 s10, $0x1;
	s10 =	sld [smem:$0x3FBA];
	_ =	sdelay $0x3  }
0x34: {  	[smem:$0x3FBA] =	sst s10  }
0x35: {  	s10 =	sld [smem:$0x3FB9];
	_ =	sdelay $0x3  }
0x36: {  	p1 =	seq.s32 s10, $0x1;
	s10 =	sld [smem:$0x3FBA];
	_ =	sdelay $0x3  }
0x37: {  	[smem:$0x3FBA] =	sst s10  }
0x38: {  	s10 =	sld [smem:$0x3FBB]  }
0x39: {  	_ = 	snop;
	(pc) =	sbr.ind lr, $3  }
0x3a: {  	_ = 	snop  }
0x3b: {  	_ = 	snop  }
0x3c: {  	p2 =	seq.s32 s10, $0x1;
	s10 =	sld [smem:$0x3FBA]  }
0x3d: {  	_ =	shalt  }
0x3e: {  	_ =	shalt  }
0x3f: {  	_ =	shalt  }
0x40: {  	_ =	shalt  }
0x41: {  	_ =	shalt  }
0x42: {  	_ =	shalt  }
0x43: {  	_ =	shalt  }
0x44: {  	_ =	shalt  }
0x45: {  	_ =	shalt  }
0x46: {  	_ =	shalt  }
0x47: {  	_ =	shalt  }
0x48: {  	_ =	shalt  }
0x49: {  	_ =	shalt  }
0x4a: {  	_ =	shalt  }
0x4b: {  	_ =	shalt  }
0x4c: {  	_ =	shalt  }
0x4d: {  	_ =	shalt  }
0x4e: {  	_ =	shalt  }
0x4f: {  	_ =	shalt  }
0x50: {  	_ =	shalt  }
0x51: {  	_ =	shalt  }
0x52: {  	_ =	shalt  }
0x53: {  	_ =	shalt  }
0x54: {  	_ =	shalt  }
0x55: {  	_ =	shalt  }
0x56: {  	_ =	shalt  }
0x57: {  	_ =	shalt  }
0x58: {  	_ =	shalt  }
0x59: {  	_ =	shalt  }
0x5a: {  	_ =	shalt  }
0x5b: {  	_ =	shalt  }
0x5c: {  	_ =	shalt  }
0x5d: {  	_ =	shalt  }
0x5e: {  	_ =	shalt  }
0x5f: {  	_ =	shalt  }
0x60: {  	_ =	shalt  }
0x61: {  	_ =	shalt  }
0x62: {  	_ =	shalt  }
0x63: {  	_ =	shalt  }
0x64: {  	_ =	shalt  }
0x65: {  	_ =	shalt  }
0x66: {  	_ =	shalt  }
0x67: {  	_ =	shalt  }
0x68: {  	_ =	shalt  }
0x69: {  	_ =	shalt  }
0x6a: {  	_ =	shalt  }
0x6b: {  	_ =	shalt  }
0x6c: {  	_ =	shalt  }
0x6d: {  	_ =	shalt  }
0x6e: {  	_ =	shalt  }
0x6f: {  	_ =	shalt  }
0x70: {  	_ =	shalt  }
0x71: {  	_ =	shalt  }
0x72: {  	_ =	shalt  }
0x73: {  	_ =	shalt  }
0x74: {  	_ =	shalt  }
0x75: {  	_ =	shalt  }
0x76: {  	_ =	shalt  }
0x77: {  	_ =	shalt  }
0x78: {  	_ =	shalt  }
0x79: {  	_ =	shalt  }
0x7a: {  	_ =	shalt  }
0x7b: {  	_ =	shalt  }
0x7c: {  	_ =	shalt  }
0x7d: {  	_ =	shalt  }
0x7e: {  	_ =	shalt  }
0x7f: {  	_ =	shalt  }
0x80: {  	_ =	shalt  }
0x81: {  	_ =	shalt  }
0x82: {  	_ =	shalt  }
0x83: {  	_ =	shalt  }
0x84: {  	_ =	shalt  }
0x85: {  	_ =	shalt  }
0x86: {  	_ =	shalt  }
0x87: {  	_ =	shalt  }
.Lfunc_end0:
.L_simem_size_0:
called_computation.1_lowered:
.L_overlay_start_0:
0x88: {  	s2 =	sld [smem:$0x3FD9]  }
0x89: {  	s3 =	sld [smem:$0x3FFE];
	_ =	sdelay $0x1  }
0x8a: {  	s1 =	srdreg.scid  }
0x8b: {  	s0 =	sand.u32 $0x1, s1  }
0x8c: {  	s17 =	sshll.u32 s0, $0xA;
	s2 =	sadd.s32 s3, s2  }
0x8d: {  	s2 =	sadd.s32 s2, s17  }
0x8e: {  	[smem:$0x3FC6] =	sst s2  }
0x8f: {  	_ = 	snop  }
0x90: {  	s2 =	sld [smem:$0x3FD0];
	(tm) =	ssettm $0x1  }
0x91: {  	s18 =	sld [smem:$0x3FFB];
	_ =	sdelay $0x3  }
0x92: {  	_ =	strace s18  }
0x93: {  	s3 =	sld [smem:$0x3FFC];
	_ =	sdelay $0x3  }
0x94: {  	_ =	strace s3  }
0x95: {  	s3 =	sld [smem:$0x3FFD];
	_ =	sdelay $0x3  }
0x96: {  	_ =	strace s3  }
0x97: {  	_ =	strace $0x8FFFFFFF  }
0x98: {  	s19 =	sld [smem:$0x3FDB];
	_ =	sdelay $0x1  }
0x99: {  	s4 =	simm.s32 $_scs_section_size  }
0x9a: {  	s5 =	simm.s32 $_size__tile_overlayer_lowered;
	s6 =	simm.s32 $_tile_overlayer_lowered  }
0x9b: {  	s22 =	simm.s32 $0x1BFF;
	s21 =	sshll.u32 s6, $0x1;
	s3 =	sadd.s32 s4, s19  }
0x9c: {  	s7 =	simm.s32 $0x0;
	s20 =	sshll.u32 s5, $0x1;
	s5 =	sadd.s32 s21, s3  }
0x9d: {  	[timem:s7], [sflag:s22] =	dma.local [hbm:s5], s20  }
0x9e: {  	_ =	swait.ge [sflag:s22], s20  }
0x9f: {  	s4 =	ssub.s32 $0x0, s20;
	[sflag:s22] =	ssyncset.done $0x0  }
0xa0: {  	[sflag:s22] =	ssyncadd.s32 s4;
	_ =	sdelay $0x1  }
0xa1: {  	s23 =	simm.s32 $0x1B8B  }
0xa2: {  	_ =	swait.ge [sflag:s23], $0x1  }
0xa3: {  	[sflag:s23] =	ssyncset.done $0x0  }
0xa4: {  	s25 =	simm.s32 $0x1B8E;
	s24 =	sld [smem:$0x3FFE];
	[sflag:s23] =	ssyncadd.s32 $0xFFFFFFFF  }
0xa5: {  	s26 =	simm.s32 $execute0_lowered;
	[smem:$0x3FD2] =	sst s25  }
0xa6: {  	s5 =	sshll.u32 s26, $0x1;
	_ =	strace $0x80000046;
	[dreg:$0x1] =	wrdreg $0xFFFFFFFF  }
0xa7: {  	s28 =	simm.s32 $_size_execute0_lowered;
	s3 =	sadd.s32 s3, s5;
	[dreg:$0x0] =	wrdreg $0x0  }
0xa8: {  	s5 =	sshll.u32 s28, $0x1;
	[dreg:$0x2] =	wrdreg s3  }
0xa9: {  	[dreg:$0x3] =	wrdreg s5  }
0xaa: {  	[dreg:$0x4] =	wrdreg $0xC0  }
0xab: {  	_ =	task [dreg:s7], $0x5FFFF  }
0xac: {  	[dreg:$0x1] =	wrdreg $0xFFFFFFFF  }
0xad: {  	[dreg:$0x0] =	wrdreg $0x60  }
0xae: {  	[dreg:$0x2] =	wrdreg s24  }
0xaf: {  	[dreg:$0x3] =	wrdreg s2  }
0xb0: {  	[dreg:$0x4] =	wrdreg $0x9  }
0xb1: {  	_ =	task.clear_ibuf [dreg:s7], $0x5FFFF;
	_ =	strace $0x90000046  }
0xb2: {  	s29 =	simm.s32 $0x9;
	_ =	strace $0x80000048  }
0xb3: {  	_ =	swait.ge [sflag:s29], $0x1  }
0xb4: {  	[sflag:s29] =	ssyncadd.s32 $0xFFFFFFFF  }
0xb5: {  	_ =	strace $0x90000048  }
0xb6: {  	_ =	sfence  }
0xb7: {  	s30 =	sld [smem:$0x0];
	_ =	sdelay $0x2  }
0xb8: {  	s31 =	sshll.u32 s1, $0xD;
	s1 =	sshrl.u32 s1, $0x2  }
0xb9: {  	s3 =	sand.u32 $0x4000, s31;
	s1 =	sadd.s32 s1, s30  }
0xba: {  	s0 =	sor.u32 s3, s0;
	s1 =	sshll.u32 s1, $0x11  }
0xbb: {  	s0 =	sor.u32 s1, s0  }
0xbc: {  	s0 =	sadd.s32 $0x8F2B, s0  }
0xbd: {  	[sflag:s0] =	ssyncadd.remote.s32 $0x1  }
0xbe: {  	_ =	sfence.sel $0xFFFF  }
0xbf: {  	[dreg:$0x0] =	wrdreg $0xFFFFFFFF;
	(pc) =	sbr.abs _section_cstart, $3  }
0xc0: {  	[dreg:$0x1] =	wrdreg $0xFFFFFFFF  }
0xc1: {  	_ =	task.clear_ibuf [dreg:s7], $0x2FFFF;
	_ =	strace $0x9FFFFFFF  }
0xc2: {  	(tm) =	ssettm $0x7FFFFFFF  }
0xc3: {  	_ =	shalt  }
tec
execute0_lowered:
.L_overlay_start_1:
0x0: {  	(tag) =	ssettag $0x1  }
0x1: {  	s4 =	rddreg [dreg:$0x0]  }
0x2: {  	s1 =	srdreg.scid;
	s0 =	stileid.u32  }
0x3: {  	s10 =	rddreg [dreg:$0x1];
	s2 =	simm.s32 $0x0;
	s15 =	simm.s32 $0x80  }
0x4: {  	s16 =	simm.s32 $0x3400;
	s17 =	simm.s32 $0x5400;
	s18 =	simm.s32 $0x100  }
0x5: {  	s19 =	simm.s32 $0x7400;
	s20 =	simm.s32 $0x180;
	s21 =	simm.s32 $0x9400  }
0x6: {  	s22 =	simm.s32 $0x1;
	s23 =	simm.s32 $0x2;
	s9 =	smul.u32 $0x1A0000, s0  }
0x7: {  	s24 =	simm.s32 $0x0;
	s6 =	sand.u32 $0x1, s1;
	s11 =	smul.u32 $0x6800, s0  }
0x8: {  	s3 =	sshll.u32 s0, $0x1;
	s1 =	rddreg [dreg:$0x2];
	s13 =	smul.u32 $0x3400, s6  }
0x9: {  	[smem:$0x7FF] =	sst s2;
	s5 =	sor.u32 s6, s3;
	s14 =	smul.u32 $0xD0000, s6  }
0xa: {  	_ =	strace $0x80000047;
	s26 =	ssub.s32 $0x2, s6;
	s7 =	smul.u32 $0x3400, s5  }
0xb: {  	s3 =	sadd.s32 $0xF42E00, s4;
	s5 =	smul.u32 $0xD0000, s5;
	s8 =	sshrl.u32 s26, $0x1  }
0xc: {  	s12 =	ssub.s32 s26, s8;
	s11 =	sadd.s32 s13, s11;
	s29 =	sadd.s32 s14, s9  }
0xd: {  	s14 =	simm.s32 $0x3;
	s7 =	sshrl.u32 s7, $0x3;
	s5 =	sshrl.u32 s5, $0x3  }
0xe: {  	s11 =	sshll.u32 s11, $0x3;
	s9 =	smax.u32 s12, $0x1;
	s30 =	sshrl.u32 s29, $0x3  }
0xf: {  	s4 =	sadd.s32 s7, s4;
	s28 =	sadd.s32 s10, s5;
	s31 =	sadd.s32 s11, s10  }
0x10: {  	s10 =	sadd.s32 s30, s10;
	s4 =	sadd.s32 $0xA00, s4;
	s5 =	sadd.s32 $0x19000, s28  }
0x11: {  	s6 =	sadd.s32 $0x19400, s28;
	s7 =	sadd.s32 $0x19800, s28;
	s8 =	sadd.s32 $0x19C00, s28  }
0x12: {  	s11 =	sadd.s32 $0xC00, s31;
	s12 =	sadd.s32 $0x800, s31;
	s13 =	sadd.s32 $0x400, s31  }
.LBB2_1:
0x13: {  	[tilespmem:s2], [sflag:$0x3] =	stream.linear.gather [hbm4b:s4+s2], $0x3400, $0x38;
	[tilespmem:$0xB400] =	vst v63  }
0x14: {  	_ =	swait.ge [sflag:s14], $0x3400  }
0x15: {  	[sflag:s14] =	ssyncset.done $0x0  }
0x16: {  	[sflag:s14] =	ssyncadd.s32 $0xFFFFCC00  }
0x17: {  	[tilespmem:s16], [sflag:$0x1] =	stream.indirect.gather [hbm4b:s3+s15], $0x40, s2, s15, $0xb8;
	[tilespmem:$0xB400] =	vst v63  }
0x18: {  	_ = 	snop  }
0x19: {  	[tilespmem:s17], [sflag:$0x1] =	stream.indirect.gather [hbm4b:s3+s15], $0x40, s15, s15, $0xb8;
	[tilespmem:$0xB400] =	vst v63  }
0x1a: {  	_ = 	snop  }
0x1b: {  	[tilespmem:s19], [sflag:$0x1] =	stream.indirect.gather [hbm4b:s3+s15], $0x40, s18, s15, $0xb8;
	[tilespmem:$0xB400] =	vst v63  }
0x1c: {  	_ = 	snop  }
0x1d: {  	[tilespmem:s21], [sflag:$0x1] =	stream.indirect.gather [hbm4b:s3+s15], $0x40, s20, s15, $0xb8;
	[tilespmem:$0xB400] =	vst v63  }
0x1e: {  	_ =	swait.ge [sflag:s22], $0x2000  }
0x1f: {  	[sflag:s22] =	ssyncset.done $0x0  }
0x20: {  	s25 =	sadd.s32 $0x0, s10;
	[sflag:s22] =	ssyncadd.s32 $0xFFFFE000  }
0x21: {  	[hbm4b:s25+s2] =	stream.linear.scatter [tilespmem:s16], [sflag:$0x2], $0x2000, $0x38;
	[tilespmem:$0xB400] =	vst v63  }
0x22: {  	_ =	swait.ge [sflag:s23], $0x2000  }
0x23: {  	[sflag:s23] =	ssyncset.done $0x0  }
0x24: {  	s30 =	simm.s32 $0x200;
	[sflag:s23] =	ssyncadd.s32 $0xFFFFE000  }
0x25: {  	[tilespmem:s16], [sflag:$0x1] =	stream.indirect.gather [hbm4b:s3+s15], $0x40, s30, s15, $0xb8;
	[tilespmem:$0xB400] =	vst v63  }
0x26: {  	_ =	swait.ge [sflag:s22], $0x2000  }
0x27: {  	[sflag:s22] =	ssyncset.done $0x0  }
0x28: {  	s31 =	sadd.s32 $0x0, s13;
	[sflag:s22] =	ssyncadd.s32 $0xFFFFE000  }
0x29: {  	[hbm4b:s31+s2] =	stream.linear.scatter [tilespmem:s17], [sflag:$0x2], $0x2000, $0x38;
	[tilespmem:$0xB400] =	vst v63  }
0x2a: {  	_ =	swait.ge [sflag:s23], $0x2000  }
0x2b: {  	[sflag:s23] =	ssyncset.done $0x0  }
0x2c: {  	s26 =	simm.s32 $0x280;
	[sflag:s23] =	ssyncadd.s32 $0xFFFFE000  }
0x2d: {  	[tilespmem:s17], [sflag:$0x1] =	stream.indirect.gather [hbm4b:s3+s15], $0x40, s26, s15, $0xb8;
	[tilespmem:$0xB400] =	vst v63  }
0x2e: {  	_ =	swait.ge [sflag:s22], $0x2000  }
0x2f: {  	[sflag:s22] =	ssyncset.done $0x0  }
0x30: {  	s29 =	sadd.s32 $0x0, s12;
	[sflag:s22] =	ssyncadd.s32 $0xFFFFE000  }
0x31: {  	[hbm4b:s29+s2] =	stream.linear.scatter [tilespmem:s19], [sflag:$0x2], $0x2000, $0x38;
	[tilespmem:$0xB400] =	vst v63  }
0x32: {  	_ =	swait.ge [sflag:s23], $0x2000  }
0x33: {  	[sflag:s23] =	ssyncset.done $0x0  }
0x34: {  	s30 =	simm.s32 $0x300;
	[sflag:s23] =	ssyncadd.s32 $0xFFFFE000  }
0x35: {  	[tilespmem:s19], [sflag:$0x1] =	stream.indirect.gather [hbm4b:s3+s15], $0x40, s30, s15, $0xb8;
	[tilespmem:$0xB400] =	vst v63  }
0x36: {  	_ =	swait.ge [sflag:s22], $0x2000  }
0x37: {  	[sflag:s22] =	ssyncset.done $0x0  }
0x38: {  	s31 =	sadd.s32 $0x0, s11;
	[sflag:s22] =	ssyncadd.s32 $0xFFFFE000  }
0x39: {  	[hbm4b:s31+s2] =	stream.linear.scatter [tilespmem:s21], [sflag:$0x2], $0x2000, $0x38;
	[tilespmem:$0xB400] =	vst v63  }
0x3a: {  	_ =	swait.ge [sflag:s23], $0x2000  }
0x3b: {  	s28 =	simm.s32 $0x580;
	[sflag:s23] =	ssyncset.done $0x0  }
0x3c: {  	s25 =	simm.s32 $0x380;
	s26 =	simm.s32 $0x1000;
	[sflag:s23] =	ssyncadd.s32 $0xFFFFE000  }
.LBB2_2:
0x3d: {  	[tilespmem:s21], [sflag:$0x1] =	stream.indirect.gather [hbm4b:s3+s15], $0x40, s25, s15, $0xb8;
	[tilespmem:$0xB400] =	vst v63  }
0x3e: {  	s29 =	smov.u32 s26;
	s25 =	smov.u32 s28  }
0x3f: {  	p0 =	sne.s32 s26, $0x18000;
	s26 =	sadd.s32 $0x1000, s26;
	_ =	swait.ge [sflag:s22], $0x2000  }
0x40: {  	[sflag:s22] =	ssyncset.done $0x0  }
0x41: {  	s30 =	sadd.s32 s29, s10;
	[sflag:s22] =	ssyncadd.s32 $0xFFFFE000  }
0x42: {  	[hbm4b:s30+s2] =	stream.linear.scatter [tilespmem:s16], [sflag:$0x2], $0x2000, $0x38;
	[tilespmem:$0xB400] =	vst v63  }
0x43: {  	_ =	swait.ge [sflag:s23], $0x2000  }
0x44: {  	[sflag:s23] =	ssyncset.done $0x0  }
0x45: {  	s30 =	sadd.s32 $0xFFFFFE80, s28;
	[sflag:s23] =	ssyncadd.s32 $0xFFFFE000  }
0x46: {  	[tilespmem:s16], [sflag:$0x1] =	stream.indirect.gather [hbm4b:s3+s15], $0x40, s30, s15, $0xb8;
	[tilespmem:$0xB400] =	vst v63  }
0x47: {  	_ =	swait.ge [sflag:s22], $0x2000  }
0x48: {  	[sflag:s22] =	ssyncset.done $0x0  }
0x49: {  	s30 =	sadd.s32 s29, s13;
	[sflag:s22] =	ssyncadd.s32 $0xFFFFE000  }
0x4a: {  	[hbm4b:s30+s2] =	stream.linear.scatter [tilespmem:s17], [sflag:$0x2], $0x2000, $0x38;
	[tilespmem:$0xB400] =	vst v63  }
0x4b: {  	_ =	swait.ge [sflag:s23], $0x2000  }
0x4c: {  	[sflag:s23] =	ssyncset.done $0x0  }
0x4d: {  	s30 =	sadd.s32 $0xFFFFFF00, s28;
	[sflag:s23] =	ssyncadd.s32 $0xFFFFE000  }
0x4e: {  	[tilespmem:s17], [sflag:$0x1] =	stream.indirect.gather [hbm4b:s3+s15], $0x40, s30, s15, $0xb8;
	[tilespmem:$0xB400] =	vst v63  }
0x4f: {  	_ =	swait.ge [sflag:s22], $0x2000  }
0x50: {  	[sflag:s22] =	ssyncset.done $0x0  }
0x51: {  	s30 =	sadd.s32 s29, s12;
	[sflag:s22] =	ssyncadd.s32 $0xFFFFE000  }
0x52: {  	[hbm4b:s30+s2] =	stream.linear.scatter [tilespmem:s19], [sflag:$0x2], $0x2000, $0x38;
	[tilespmem:$0xB400] =	vst v63  }
0x53: {  	_ =	swait.ge [sflag:s23], $0x2000  }
0x54: {  	[sflag:s23] =	ssyncset.done $0x0  }
0x55: {  	s30 =	sadd.s32 $0xFFFFFF80, s28;
	[sflag:s23] =	ssyncadd.s32 $0xFFFFE000  }
0x56: {  	[tilespmem:s19], [sflag:$0x1] =	stream.indirect.gather [hbm4b:s3+s15], $0x40, s30, s15, $0xb8;
	[tilespmem:$0xB400] =	vst v63  }
0x57: {  	_ =	swait.ge [sflag:s22], $0x2000  }
0x58: {  	[sflag:s22] =	ssyncset.done $0x0  }
.Ltmp0:
0x59: {  	s29 =	sadd.s32 s29, s11;
	[sflag:s22] =	ssyncadd.s32 $0xFFFFE000;
	(pc) =	sbr.rel @p0 .LBB2_2-.Ltmp0, $4  }
0x5a: {  	[hbm4b:s29+s2] =	stream.linear.scatter [tilespmem:s21], [sflag:$0x2], $0x2000, $0x38;
	[tilespmem:$0xB400] =	vst v63  }
0x5b: {  	_ =	swait.ge [sflag:s23], $0x2000  }
0x5c: {  	[sflag:s23] =	ssyncset.done $0x0  }
0x5d: {  	s28 =	sadd.s32 $0x200, s28;
	[sflag:s23] =	ssyncadd.s32 $0xFFFFE000  }
0x5e: {  	[tilespmem:s21], [sflag:$0x1] =	stream.indirect.gather [hbm4b:s3+s15], $0x40, s25, s15, $0xb8;
	[tilespmem:$0xB400] =	vst v63  }
0x5f: {  	_ =	swait.ge [sflag:s22], $0x2000  }
0x60: {  	[sflag:s22] =	ssyncset.done $0x0  }
0x61: {  	[sflag:s22] =	ssyncadd.s32 $0xFFFFE000  }
0x62: {  	[hbm4b:s5+s2] =	stream.linear.scatter [tilespmem:s16], [sflag:$0x2], $0x2000, $0x38;
	[tilespmem:$0xB400] =	vst v63  }
0x63: {  	_ =	swait.ge [sflag:s22], $0x2000  }
0x64: {  	[sflag:s22] =	ssyncset.done $0x0  }
0x65: {  	[sflag:s22] =	ssyncadd.s32 $0xFFFFE000  }
0x66: {  	[hbm4b:s6+s2] =	stream.linear.scatter [tilespmem:s17], [sflag:$0x2], $0x2000, $0x38;
	[tilespmem:$0xB400] =	vst v63  }
0x67: {  	_ =	swait.ge [sflag:s22], $0x2000  }
0x68: {  	[sflag:s22] =	ssyncset.done $0x0  }
0x69: {  	[sflag:s22] =	ssyncadd.s32 $0xFFFFE000  }
0x6a: {  	[hbm4b:s7+s2] =	stream.linear.scatter [tilespmem:s19], [sflag:$0x2], $0x2000, $0x38;
	[tilespmem:$0xB400] =	vst v63  }
0x6b: {  	_ =	swait.ge [sflag:s22], $0x2000  }
0x6c: {  	[sflag:s22] =	ssyncset.done $0x0  }
0x6d: {  	[sflag:s22] =	ssyncadd.s32 $0xFFFFE000  }
0x6e: {  	[hbm4b:s8+s2] =	stream.linear.scatter [tilespmem:s21], [sflag:$0x2], $0x2000, $0x38;
	[tilespmem:$0xB400] =	vst v63  }
0x6f: {  	_ =	swait.ge [sflag:s23], $0x2000  }
0x70: {  	[sflag:s23] =	ssyncset.done $0x0  }
0x71: {  	[sflag:s23] =	ssyncadd.s32 $0xFFFFE000  }
0x72: {  	_ =	swait.ge [sflag:s23], $0x2000  }
0x73: {  	[sflag:s23] =	ssyncset.done $0x0  }
0x74: {  	s24 =	sadd.s32 $0x1, s24;
	[sflag:s23] =	ssyncadd.s32 $0xFFFFE000  }
0x75: {  	p0 =	sne.s32 s24, s9;
	_ =	swait.ge [sflag:s23], $0x2000  }
.Ltmp1:
0x76: {  	[sflag:s23] =	ssyncset.done $0x0;
	(pc) =	sbr.rel @p0 .LBB2_1-.Ltmp1, $4  }
0x77: {  	[sflag:s23] =	ssyncadd.s32 $0xFFFFE000  }
0x78: {  	_ =	swait.ge [sflag:s23], $0x2000  }
0x79: {  	[sflag:s23] =	ssyncset.done $0x0  }
0x7a: {  	[sflag:s23] =	ssyncadd.s32 $0xFFFFE000  }
0x7b: {  	_ =	sfence.sel $0x180000  }
0x7c: {  	[bflag:$0x0] =	sbarrier.arrive $0xFFFF  }
0x7d: {  	p0 =	sne.s32 s0, $0x0;
	_ =	strace $0x90000047  }
0x7e: {  	s0 =	sadd.s32 @!p0 $0x100000, s1;
	[bflag:$0x2] =	sbarrier.arrive $0xFFFF  }
0x7f: {  	[sflag:s0] =	ssyncadd.tile.s32 @!p0 $0x1;
	_ =	shalt  }
.Lfunc_end2:
_tile_overlayer_lowered:
.L_overlay_start_2:
0x80: {  	(tag) =	ssettag $0x2  }
0x81: {  	s0 =	rddreg [dreg:$0x0];
	s2 =	stileid.u32  }
0x82: {  	s1 =	rddreg [dreg:$0x1];
	p0 =	sne.s32 s2, $0x0  }
0x83: {  	s3 =	rddreg [dreg:$0x2];
	[bflag:$0x3] =	sbarrier.arrive $0xFFFF;
	s2 =	simm.s32 @!p0 $0x1C03  }
0x84: {  	[timem:s3], [sflag:s2] =	dma.local @!p0 [hbm:s0], s1  }
0x85: {  	s0 =	simm.s32 @!p0 $0x3  }
0x86: {  	_ =	swait.ge @!p0 [sflag:s0], s1  }
0x87: {  	s1 =	ssub.s32 @!p0 $0x0, s1;
	[sflag:s0] =	ssyncset.done @!p0 $0x0  }
0x88: {  	[sflag:s0] =	ssyncadd.s32 @!p0 s1  }
0x89: {  	[bflag:$0x3] =	sbarrier.arrive $0xFFFF  }
0x8a: {  	_ =	shalt  }

// kernel: sparse-core-data-format-call.cloned.1.call-start
scs
called_computation_lowered:
.L_overlay_start_0:
0x0: {  	s2 =	sld [smem:$0x3FD9]  }
0x1: {  	s3 =	sld [smem:$0x3FFE];
	_ =	sdelay $0x1  }
0x2: {  	s1 =	srdreg.scid  }
0x3: {  	s0 =	sand.u32 $0x1, s1  }
0x4: {  	s18 =	sshll.u32 s0, $0xA;
	s2 =	sadd.s32 s3, s2  }
0x5: {  	s2 =	sadd.s32 s2, s18  }
0x6: {  	[smem:$0x3FC6] =	sst s2  }
0x7: {  	_ = 	snop  }
0x8: {  	s2 =	sld [smem:$0x3FD0];
	(tm) =	ssettm $0x1  }
0x9: {  	s19 =	sld [smem:$0x3FFB];
	_ =	sdelay $0x3  }
0xa: {  	_ =	strace s19  }
0xb: {  	s3 =	sld [smem:$0x3FFC];
	_ =	sdelay $0x3  }
0xc: {  	_ =	strace s3  }
0xd: {  	s3 =	sld [smem:$0x3FFD];
	_ =	sdelay $0x3  }
0xe: {  	_ =	strace s3  }
0xf: {  	_ =	strace $0x8FFFFFFF  }
0x10: {  	s20 =	sld [smem:$0x3FDB];
	_ =	sdelay $0x1  }
0x11: {  	s4 =	simm.s32 $_scs_section_size  }
0x12: {  	s5 =	simm.s32 $_size__tile_overlayer_lowered;
	s6 =	simm.s32 $_tile_overlayer_lowered  }
0x13: {  	s23 =	simm.s32 $0x1BFF;
	s22 =	sshll.u32 s6, $0x1;
	s3 =	sadd.s32 s4, s20  }
0x14: {  	s7 =	simm.s32 $0x0;
	s21 =	sshll.u32 s5, $0x1;
	s5 =	sadd.s32 s22, s3  }
0x15: {  	[timem:s7], [sflag:s23] =	dma.local [hbm:s5], s21  }
0x16: {  	_ =	swait.ge [sflag:s23], s21  }
0x17: {  	s4 =	ssub.s32 $0x0, s21;
	[sflag:s23] =	ssyncset.done $0x0  }
0x18: {  	[sflag:s23] =	ssyncadd.s32 s4;
	_ =	sdelay $0x1  }
0x19: {  	s24 =	simm.s32 $0x1B8B  }
0x1a: {  	_ =	swait.ge [sflag:s24], $0x1  }
0x1b: {  	[sflag:s24] =	ssyncset.done $0x0  }
0x1c: {  	s26 =	simm.s32 $0x1B8E;
	s25 =	sld [smem:$0x3FFE];
	[sflag:s24] =	ssyncadd.s32 $0xFFFFFFFF  }
0x1d: {  	s27 =	simm.s32 $execute0_lowered;
	[smem:$0x3FD2] =	sst s26  }
0x1e: {  	s5 =	sshll.u32 s27, $0x1;
	_ =	strace $0x80000049;
	[dreg:$0x1] =	wrdreg $0xFFFFFFFF  }
0x1f: {  	s28 =	simm.s32 $_size_execute0_lowered;
	s3 =	sadd.s32 s3, s5;
	[dreg:$0x0] =	wrdreg $0x0  }
0x20: {  	s5 =	sshll.u32 s28, $0x1;
	[dreg:$0x2] =	wrdreg s3  }
0x21: {  	[dreg:$0x3] =	wrdreg s5  }
0x22: {  	[dreg:$0x4] =	wrdreg $0xC0  }
0x23: {  	_ =	task [dreg:s7], $0x5FFFF  }
0x24: {  	[dreg:$0x1] =	wrdreg $0xFFFFFFFF  }
0x25: {  	[dreg:$0x0] =	wrdreg $0x60  }
0x26: {  	[dreg:$0x2] =	wrdreg s25  }
0x27: {  	[dreg:$0x3] =	wrdreg s2  }
0x28: {  	[dreg:$0x4] =	wrdreg $0x9  }
0x29: {  	_ =	task.clear_ibuf [dreg:s7], $0x5FFFF;
	_ =	strace $0x90000049  }
0x2a: {  	s29 =	simm.s32 $0x9;
	_ =	strace $0x8000004B  }
0x2b: {  	_ =	swait.ge [sflag:s29], $0x1  }
0x2c: {  	[sflag:s29] =	ssyncadd.s32 $0xFFFFFFFF  }
0x2d: {  	_ =	strace $0x9000004B  }
0x2e: {  	_ =	sfence  }
0x2f: {  	s30 =	sld [smem:$0x0];
	_ =	sdelay $0x2  }
0x30: {  	s31 =	sshll.u32 s1, $0xD;
	s1 =	sshrl.u32 s1, $0x2  }
0x31: {  	s3 =	sand.u32 $0x4000, s31;
	s1 =	sadd.s32 s1, s30  }
0x32: {  	s0 =	sor.u32 s3, s0;
	s1 =	sshll.u32 s1, $0x11  }
0x33: {  	s0 =	sor.u32 s1, s0  }
0x34: {  	s0 =	sadd.s32 $0x8F2B, s0  }
0x35: {  	[sflag:s0] =	ssyncadd.remote.s32 $0x1  }
0x36: {  	_ =	sfence.sel $0xFFFF  }
0x37: {  	[dreg:$0x0] =	wrdreg $0xFFFFFFFF;
	(pc) =	sbr.abs _section_cstart, $3  }
0x38: {  	[dreg:$0x1] =	wrdreg $0xFFFFFFFF  }
0x39: {  	_ =	task.clear_ibuf [dreg:s7], $0x2FFFF;
	_ =	strace $0x9FFFFFFF  }
0x3a: {  	(tm) =	ssettm $0x7FFFFFFF  }
0x3b: {  	_ =	shalt  }
tec
execute0_lowered:
.L_overlay_start_1:
0x0: {  	(tag) =	ssettag $0x1  }
0x1: {  	s0 =	srdreg.scid  }
0x2: {  	s1 =	sshll.u32 s0, $0x4  }
0x3: {  	s0 =	stileid.u32;
	s1 =	sand.u32 $0x10, s1  }
0x4: {  	s1 =	sor.u32 s0, s1  }
0x5: {  	s6 =	rddreg [dreg:$0x0];
	s4 =	simm.s32 $0x1;
	s2 =	sshll.u32 s1, $0x7  }
0x6: {  	s7 =	simm.s32 $0x2;
	s12 =	simm.s32 $0x0;
	s1 =	ssub.s32 $0x4000, s2  }
0x7: {  	s8 =	simm.s32 $0x20000;
	s13 =	simm.s32 $0x0;
	s3 =	sand.u32 $0xF80, s1  }
0x8: {  	s9 =	simm.s32 $0x0;
	s5 =	sshrl.u32 s1, $0xC;
	p0 =	sne.s32 s3, $0x0  }
.Ltmp0:
0x9: {  	s1 =	rddreg [dreg:$0x2];
	s4 =	simm.s32 @!p0 $0x0;
	(pc) =	sbr.rel .LBB1_1-.Ltmp0, $4  }
0xa: {  	s11 =	simm.s32 $0x0;
	s3 =	rddreg [dreg:$0x1];
	s5 =	sadd.s32 s4, s5  }
0xb: {  	_ =	strace $0x8000004A;
	s4 =	simm.s32 $0x1;
	s5 =	smul.u32 $0x1A, s5  }
0xc: {  	s6 =	sadd.s32 $0xA00, s6;
	s10 =	smov.u32 s2;
	[sflag:s4] =	ssyncpa.u1 $0x0  }
0xd: {  	p0 =	por $0x0, $0x0;
	[sflag:s7] =	ssyncpa.u1 $0x0;
	s7 =	sor.u32 $0x1, s5  }
.LBB1_4:
0xe: {  	s16 =	sshll.u32 s13, $0x3;
	s17 =	sand.u32 $0x78, s13  }
0xf: {  	s30 =	sand.u32 $0x1F800, s13;
	s12 =	sshll.u32 s12, $0x11;
	s16 =	sand.u32 $0x3C00, s16  }
0x10: {  	[tilespmem:s15+$0x810 ss:$0x81] =	vst.msk $0xffff, v2;
	s31 =	sand.u32 $0x7, s13;
	s16 =	sor.u32 s17, s16;
	s17 =	sadd.s32 s3, s30  }
0x11: {  	[tilespmem:s15+$0x1020 ss:$0x81] =	vst.msk $0xffff, v0;
	s13 =	sshll.u32 s31, $0x12;
	s12 =	sadd.s32 s12, s17;
	s16 =	sshrl.u32 s16, $0x3  }
0x12: {  	[tilespmem:s15+$0x0 ss:$0x81] =	vst.msk $0xffff, v1;
	s13 =	sor.u32 $0x400, s13;
	s12 =	sadd.s32 s16, s12  }
0x13: {  	[hbm4b:s12+s13] =	stream.strided.scatter [tilespmem:s14], [sflag:$0x2], $0x2000, s8, s13, $0x20;
	[tilespmem:$0x8080] =	vst v63  }
.LBB1_5:
0x14: {  	s14 =	sadd.s32 $0x1, s9  }
0x15: {  	s12 =	sadd.s32 $0x1000, s10;
	s16 =	smov.u32 s10;
	p2 =	sgt.s32 s14, $0x19  }
0x16: {  	s16 =	smov.u32 @p2 s12  }
0x17: {  	s14 =	simm.s32 @p2 $0x0;
	p2 =	sgt.s32 s16, $0x3FFF  }
0x18: {  	s16 =	smov.u32 @p2 s2;
	p2 =	sne.s32 s11, s7  }
.Ltmp1:
0x19: {  	p1 =	slt.u32 s11, $0x2;
	(pc) =	sbr.rel @!p2 .LBB1_6-.Ltmp1, $4  }
0x1a: {  	s15 =	simm.s32 @!p1 $0x2  }
0x1b: {  	s13 =	smov.u32 s10;
	p0 =	por !p0, !p0;
	_ =	swait.ge @!p1 [sflag:s15], $0x2000  }
0x1c: {  	s12 =	smov.u32 s9;
	[sflag:s15] =	ssyncset.done @!p1 $0x0;
	s9 =	smov.u32 s14  }
0x1d: {  	s11 =	sadd.s32 $0x1, s11;
	[sflag:s15] =	ssyncadd.s32 @!p1 $0xFFFFE000;
	s10 =	smov.u32 s16  }
.LBB1_1:
0x1e: {  	p1 =	sge.u32 s11, s5  }
0x1f: {  	s31 =	sadd.s32 $0xFFFFFFFF, s11;
	s14 =	sxor.u32 @!p1 $0xFFFFFFFF, s11  }
0x20: {  	s15 =	sshll.u32 @!p1 s10, $0x9;
	s16 =	sshll.u32 @!p1 s9, $0x4;
	s17 =	simm.s32 @!p1 $0x1000  }
0x21: {  	s14 =	sshll.u32 @!p1 s14, $0xD;
	s16 =	sand.u32 @!p1 $0x1F0, s16;
	s15 =	sadd.s32 @!p1 s6, s15  }
0x22: {  	s14 =	sand.u32 @!p1 $0x2000, s14;
	s15 =	sadd.s32 @!p1 s16, s15;
	s16 =	simm.s32 @!p1 $0x40  }
0x23: {  	[tilespmem:s14], [sflag:$0x1] =	stream.strided.gather @!p1 [hbm4b:s15+s16], $0x2000, s17, s16, $0x38;
	[tilespmem:$0x8080] =	vst v63  }
0x24: {  	p1 =	sge.u32 s31, s5  }
.Ltmp2:
0x25: {  	_ = 	snop;
	(pc) =	sbr.rel @p1 .LBB1_5-.Ltmp2, $1  }
0x26: {  	_ =	sdelay $0x3  }
0x27: {  	s14 =	simm.s32 $0x1  }
0x28: {  	_ =	swait.ge [sflag:s4], $0x2000;
	s14 =	simm.s32 @!p0 $0x0  }
0x29: {  	[sflag:s4] =	ssyncset.done $0x0;
	s15 =	sshll.u32 s14, $0xD  }
0x2a: {  	[sflag:s4] =	ssyncadd.s32 $0xFFFFE000;
	s18 =	sor.u32 $0x20, s15  }
0x2b: {  	s14 =	smul.u32 $0x8100, s14;
	v3 =	vld [tilespmem:s18+$0x10]  }
0x2c: {  	s30 =	sand.u32 $0x1, s11;
	v2 =	vld [tilespmem:s18+$0xFFFFFFF0]  }
0x2d: {  	s15 =	smul.u32 $0x8100, s30;
	s14 =	sshrl.u32 s14, $0x2;
	v0 =	vld [tilespmem:s18+$0x0]  }
0x2e: {  	v1 =	vld [tilespmem:s18+$0xFFFFFFE0];
	s16 =	sor.u32 $0x4000, s14  }
0x2f: {  	s31 =	sshrl.u32 s15, $0x2;
	s15 =	sadd.s32 $0x0, s16  }
0x30: {  	s17 =	simm.s32 $0x4;
	s18 =	sadd.s32 $0x40, s18;
	s14 =	sor.u32 $0x4000, s31;
	[tilespmem:s15+$0x1830 ss:$0x81] =	vst.msk $0xffff, v3  }
.LBB1_3:
0x31: {  	v3 =	vld [tilespmem:s18+$0x10];
	p1 =	sne.s32 s17, $0x1FC;
	[tilespmem:s15+$0x810 ss:$0x81] =	vst.msk $0xffff, v2;
	s19 =	smov.u32 s17;
	s17 =	sadd.s32 $0x4, s17  }
.Ltmp3:
0x32: {  	v2 =	vld [tilespmem:s18+$0xFFFFFFF0];
	[tilespmem:s15+$0x1020 ss:$0x81] =	vst.msk $0xffff, v0;
	(pc) =	sbr.rel @p1 .LBB1_3-.Ltmp3, $4  }
0x33: {  	v0 =	vld [tilespmem:s18+$0x0];
	[tilespmem:s15+$0x0 ss:$0x81] =	vst.msk $0xffff, v1  }
0x34: {  	s15 =	sshra.s32 s19, $0x2;
	v1 =	vld [tilespmem:s18+$0xFFFFFFE0]  }
0x35: {  	s15 =	sadd.s32 s15, s16  }
0x36: {  	s18 =	sadd.s32 $0x40, s18;
	[tilespmem:s15+$0x1830 ss:$0x81] =	vst.msk $0xffff, v3  }
.Ltmp4:
0x37: {  	_ = 	snop;
	(pc) =	sbr.rel .LBB1_4-.Ltmp4, $1  }
0x38: {  	_ =	sdelay $0x3  }
.LBB1_6:
0x39: {  	_ =	sfence.sel $0x180000  }
0x3a: {  	s2 =	simm.s32 $0x1;
	[bflag:$0x0] =	sbarrier.arrive $0xFFFF  }
0x3b: {  	s31 =	simm.s32 $0x2;
	[sflag:s2] =	ssyncpa.u1 $0x1  }
0x3c: {  	[sflag:s31] =	ssyncpa.u1 $0x1  }
0x3d: {  	p0 =	sne.s32 s0, $0x0;
	_ =	strace $0x9000004A  }
0x3e: {  	s0 =	sadd.s32 @!p0 $0x100000, s1;
	[bflag:$0x2] =	sbarrier.arrive $0xFFFF  }
0x3f: {  	[sflag:s0] =	ssyncadd.tile.s32 @!p0 $0x1;
	_ =	shalt  }
.Lfunc_end1:
_tile_overlayer_lowered:
.L_overlay_start_2:
0x40: {  	(tag) =	ssettag $0x2  }
0x41: {  	s0 =	rddreg [dreg:$0x0];
	s2 =	stileid.u32  }
0x42: {  	s1 =	rddreg [dreg:$0x1];
	p0 =	sne.s32 s2, $0x0  }
0x43: {  	s3 =	rddreg [dreg:$0x2];
	[bflag:$0x3] =	sbarrier.arrive $0xFFFF;
	s2 =	simm.s32 @!p0 $0x1C01  }
0x44: {  	[timem:s3], [sflag:s2] =	dma.local @!p0 [hbm:s0], s1  }
0x45: {  	s0 =	simm.s32 @!p0 $0x1  }
0x46: {  	_ =	swait.ge @!p0 [sflag:s0], s1  }
0x47: {  	s1 =	ssub.s32 @!p0 $0x0, s1;
	[sflag:s0] =	ssyncset.done @!p0 $0x0  }
0x48: {  	[sflag:s0] =	ssyncadd.s32 @!p0 s1  }
0x49: {  	[bflag:$0x3] =	sbarrier.arrive $0xFFFF  }
0x4a: {  	_ =	shalt  }

</sc_bundles>
